<compile_context>
chip_gen: v7x
topology: tpu7x:2x2x1
jax: 0.10.2.dev20260603
libtpu: 0.0.44.dev20260713+nightly
codegen_flags: <defaults>
</compile_context>

<pallas_src>
import jax
import jax.numpy as jnp
from jax import lax
from jax.experimental import pallas as pl
from jax.experimental.pallas import tpu as pltpu
from jax.experimental.pallas import tpu_sc as plsc

N = 10000
N_PAD = 10240
H = 128
HH = H // 2
E = 320000
NC = 2
NS = 16
NT = NC * NS
CH2 = 128
NSLOT = 2
EPT = E // NS
KP = -(-EPT // CH2) // NSLOT * NSLOT + NSLOT
EPT2 = KP * CH2
TPR = N_PAD // NS
BLK = 400
ZROWS = 128

_MESH = dict(core_axis_name="c", subcore_axis_name="s", num_cores=NC,
             num_subcores=NS)


def _fill1d(ref, n16, val, dtype):
    def body(i, _):
        ref[pl.ds(i * 16, 16)] = jnp.full((16,), val, dtype)
        return 0
    lax.fori_loop(0, n16, body, 0)


def _deg_body(dst_hbm, out_hbm, idx_v, ones_v, zbuf_v, acc_sh, sem):
    cid = lax.axis_index("c")
    sid = lax.axis_index("s")
    wid = cid * NS + sid
    _fill1d(zbuf_v, TPR // 16, 0.0, jnp.float32)
    _fill1d(ones_v, CH2 // 16, 1.0, jnp.float32)
    pltpu.sync_copy(zbuf_v, acc_sh.at[pl.ds(sid * TPR, TPR)])
    plsc.subcore_barrier()
    pltpu.sync_copy(dst_hbm.at[sid, pl.ds(cid * (KP // 2), KP // 2)], idx_v)

    def fire(j, _):
        pltpu.async_copy(ones_v, acc_sh.at[idx_v.at[j]], sem, add=True)
        return 0
    lax.fori_loop(0, KP // 2, fire, 0)

    def drain(j, _):
        pltpu.make_async_copy(ones_v, acc_sh.at[idx_v.at[j]], sem).wait()
        return 0
    lax.fori_loop(0, KP // 2, drain, 0)
    plsc.subcore_barrier()
    pltpu.sync_copy(acc_sh.at[pl.ds(sid * TPR, TPR)],
                    out_hbm.at[cid, pl.ds(sid * TPR, TPR)])


def _agg_body(src_hbm, dst_hbm, ycat_hbm, out_hbm, srcv, dstv, r0, r1,
              acc_sh, ga0, ga1, sa0, sa1):
    rows = (r0, r1)
    gsems = (ga0, ga1)
    ssems = (sa0, sa1)
    cid = lax.axis_index("c")
    sid = lax.axis_index("s")

    def zrow(i, _):
        for k in range(HH // 32):
            rows[0][i, pl.ds(k * 32, 32)] = jnp.zeros((32,), jnp.bfloat16)
        return 0
    lax.fori_loop(0, ZROWS, zrow, 0)
    zsrc = rows[0].at[pl.ds(0, ZROWS)]
    for r in range(TPR // ZROWS):
        pltpu.sync_copy(zsrc, acc_sh.at[pl.ds(sid * TPR + r * ZROWS, ZROWS)])

    pltpu.sync_copy(src_hbm.at[sid], srcv)
    pltpu.sync_copy(dst_hbm.at[sid], dstv)
    off = cid * N_PAD

    def obody(i, _):
        sl = pl.ds(i * 16, 16)
        srcv[sl] = srcv[sl] + off
        return 0
    lax.fori_loop(0, EPT2 // 16, obody, 0)
    plsc.subcore_barrier()

    def g_issue(j, p):
        pltpu.async_copy(ycat_hbm.at[srcv.at[pl.ds(j * CH2, CH2)]],
                         rows[p], gsems[p])

    def g_wait(j, p):
        pltpu.make_async_copy(ycat_hbm.at[srcv.at[pl.ds(j * CH2, CH2)]],
                              rows[p], gsems[p]).wait()

    def s_issue(j, p):
        pltpu.async_copy(rows[p], acc_sh.at[dstv.at[j]], ssems[p], add=True)

    def s_wait(j, p):
        pltpu.make_async_copy(rows[p], acc_sh.at[dstv.at[j]],
                              ssems[p]).wait()

    for p in range(NSLOT - 1):
        g_issue(p, p)
    T = KP // NSLOT

    def body(t, _):
        for p in range(NSLOT):
            j = NSLOT * t + p
            g_wait(j, p)
            s_issue(j, p)
            pprev = (p + NSLOT - 1) % NSLOT

            @pl.when(j > 0)
            def _():
                s_wait(j - 1, pprev)

            @pl.when(j + NSLOT - 1 < KP)
            def _():
                g_issue(j + NSLOT - 1, pprev)
        return 0
    lax.fori_loop(0, T, body, 0)
    s_wait(KP - 1, NSLOT - 1)
    plsc.subcore_barrier()
    for r in range(TPR // ZROWS):
        s = sid * TPR + r * ZROWS
        pltpu.sync_copy(acc_sh.at[pl.ds(s, ZROWS)],
                        out_hbm.at[cid, pl.ds(s, ZROWS)])


def _dense_body(dp_ref, x_ref, w_ref, ws_ref, b_ref, bs_ref, y_ref, base_ref):
    deg = dp_ref[:, 0:1] + dp_ref[:, 1:2] + 2.0
    dinv = lax.rsqrt(deg)
    xb = x_ref[...]
    xw = jnp.dot(xb, w_ref[...], preferred_element_type=jnp.float32)
    sk = jnp.dot(xb, ws_ref[...], preferred_element_type=jnp.float32)
    y = (dinv * xw).astype(jnp.bfloat16)
    y_ref[0] = y[:, :HH]
    y_ref[1] = y[:, HH:]
    base_ref[...] = sk + b_ref[...] + bs_ref[...] + (2.0 * dinv * dinv) * xw


def _final_body(dp_ref, acc_ref, base_ref, o_ref):
    deg = dp_ref[:, 0:1] + dp_ref[:, 1:2] + 2.0
    dinv = lax.rsqrt(deg)
    agg = jnp.concatenate([acc_ref[0], acc_ref[1]],
                          axis=1).astype(jnp.float32)
    o = dinv * agg + base_ref[...]
    o_ref[...] = jnp.where(o > 0, o, 0.1 * (jnp.exp(o) - 1.0))


def _deg_call(dst):
    return pl.kernel(
        _deg_body,
        out_type=jax.ShapeDtypeStruct((NC, N_PAD), jnp.float32),
        mesh=plsc.VectorSubcoreMesh(**_MESH),
        compiler_params=pltpu.CompilerParams(use_tc_tiling_on_sc=False),
        scratch_types=[
            pltpu.VMEM((KP // 2, CH2), jnp.int32),
            pltpu.VMEM((CH2,), jnp.float32),
            pltpu.VMEM((TPR,), jnp.float32),
            pltpu.VMEM_SHARED((N_PAD,), jnp.float32),
            pltpu.SemaphoreType.DMA,
        ],
    )(dst)


def _agg_call(src, dst, ycat):
    return pl.kernel(
        _agg_body,
        out_type=jax.ShapeDtypeStruct((NC, N_PAD, HH), jnp.bfloat16),
        mesh=plsc.VectorSubcoreMesh(**_MESH),
        compiler_params=pltpu.CompilerParams(use_tc_tiling_on_sc=False),
        scratch_types=[
            pltpu.VMEM((EPT2,), jnp.int32),
            pltpu.VMEM((KP, CH2), jnp.int32),
            pltpu.VMEM((CH2, HH), jnp.bfloat16),
            pltpu.VMEM((CH2, HH), jnp.bfloat16),
            pltpu.VMEM_SHARED((N_PAD, HH), jnp.bfloat16),
            pltpu.SemaphoreType.DMA,
            pltpu.SemaphoreType.DMA,
            pltpu.SemaphoreType.DMA,
            pltpu.SemaphoreType.DMA,
        ],
    )(src, dst, ycat)


def _dense_call(deg_t, x, W, W_skip, b, bs):
    grid = N // BLK
    return pl.pallas_call(
        _dense_body,
        grid=(grid,),
        in_specs=[
            pl.BlockSpec((BLK, NC), lambda i: (i, 0)),
            pl.BlockSpec((BLK, H), lambda i: (i, 0)),
            pl.BlockSpec((H, H), lambda i: (0, 0)),
            pl.BlockSpec((H, H), lambda i: (0, 0)),
            pl.BlockSpec((1, H), lambda i: (0, 0)),
            pl.BlockSpec((1, H), lambda i: (0, 0)),
        ],
        out_specs=[
            pl.BlockSpec((NC, BLK, HH), lambda i: (0, i, 0)),
            pl.BlockSpec((BLK, H), lambda i: (i, 0)),
        ],
        out_shape=[
            jax.ShapeDtypeStruct((NC, N_PAD, HH), jnp.bfloat16),
            jax.ShapeDtypeStruct((N_PAD, H), jnp.float32),
        ],
    )(deg_t, x, W, W_skip, b, bs)


def _final_call(deg_t, acc, base):
    grid = N // BLK
    return pl.pallas_call(
        _final_body,
        grid=(grid,),
        in_specs=[
            pl.BlockSpec((BLK, NC), lambda i: (i, 0)),
            pl.BlockSpec((NC, BLK, HH), lambda i: (0, i, 0)),
            pl.BlockSpec((BLK, H), lambda i: (i, 0)),
        ],
        out_specs=pl.BlockSpec((BLK, H), lambda i: (i, 0)),
        out_shape=jax.ShapeDtypeStruct((N, H), jnp.float32),
    )(deg_t, acc, base)


def kernel(x, edge_index, W, b, W_skip, b_skip):
    pad_dst = jnp.broadcast_to(N + jnp.arange(EPT2 - EPT, dtype=jnp.int32)
                               % (N_PAD - N), (NS, EPT2 - EPT))
    src = jnp.pad(edge_index[0].reshape(NS, EPT), ((0, 0), (0, EPT2 - EPT)),
                  constant_values=0)
    dst = jnp.concatenate(
        [edge_index[1].reshape(NS, EPT), pad_dst], axis=1).reshape(NS, KP, CH2)
    deg_parts = _deg_call(dst)
    deg_t = deg_parts.T
    y3, base = _dense_call(deg_t, x, W, W_skip, b.reshape(1, H),
                           b_skip.reshape(1, H))
    ycat = y3.reshape(NC * N_PAD, HH)
    acc = _agg_call(src, dst, ycat)
    return _final_call(deg_t, acc, base)

# --- scband reference (transcript-rebuilt; emitter-appended) ---
"""Pipeline reference for scband-gcnblock-19980187861403 (READ-ONLY COPY).

The authoritative reference and input builder live on the scoring server;
editing this copy changes nothing except your own understanding.
"""

import jax, jax.numpy as jnp
import numpy as np

N = 10000
E = 320000
H_IN = 128
H_OUT = 128


def setup_inputs(seed: int = 0) -> dict:
    key = jax.random.key(seed)
    k1, k2, k3, k4 = jax.random.split(key, 4)
    x = jax.random.normal(k1, (N, H_IN), dtype=jnp.float32)
    edge_index = jax.random.randint(k2, (2, E), 0, N, dtype=jnp.int32)
    W = jax.random.normal(k3, (H_IN, H_OUT), dtype=jnp.float32) * (1.0 / np.sqrt(H_IN))
    b = jnp.zeros((H_OUT,), dtype=jnp.float32)
    W_skip = jax.random.normal(k4, (H_IN, H_OUT), dtype=jnp.float32) * (1.0 / np.sqrt(H_IN))
    b_skip = jnp.zeros((H_OUT,), dtype=jnp.float32)
    return {"x": x, "edge_index": edge_index, "W": W, "b": b, "W_skip": W_skip, "b_skip": b_skip}


def reference(x, edge_index, W, b, W_skip, b_skip):
    # GCNConv(improved=True): self-loops added with weight 2.0, symmetric normalization
    src = edge_index[0]
    dst = edge_index[1]
    n = x.shape[0]
    # degree with self-loop weight 2.0 (improved=True)
    deg = jnp.zeros((n,), dtype=x.dtype).at[dst].add(1.0) + 2.0
    dinv = 1.0 / jnp.sqrt(deg)
    norm = dinv[src] * dinv[dst]
    xw = x @ W
    # message passing: scatter-add of normalized source features into dst rows
    msg = norm[:, None] * jnp.take(xw, src, axis=0)
    agg = jnp.zeros_like(xw).at[dst].add(msg)
    # self-loop contribution (edge weight 2.0)
    agg = agg + (2.0 * dinv * dinv)[:, None] * xw
    conv_out = agg + b
    # skip connection
    out = conv_out + x @ W_skip + b_skip
    # Dropout(p=0.1) in eval mode = identity; ELU(alpha=0.1)
    return jnp.where(out > 0, out, 0.1 * (jnp.exp(out) - 1.0))

if __name__ == "__main__":
    import jax
    _d = setup_inputs()
    print(jax.jit(kernel)(*tuple(_d.values())))

</pallas_src>

<mosaic_0001>
#map = affine_map<(d0, d1) -> (0, 0, 0)>
#map1 = affine_map<(d0, d1) -> (0, 0)>
module attributes {stable_mosaic.version = 14 : i64} {
  func.func @_deg_body(%arg0: i32, %arg1: i32, %arg2: memref<16x158x128xi32, #tpu.memory_space<hbm>>, %arg3: memref<2x10240xf32, #tpu.memory_space<hbm>>, %arg4: memref<79x128xi32, #tpu.memory_space<vmem>>, %arg5: memref<128xf32, #tpu.memory_space<vmem>>, %arg6: memref<640xf32, #tpu.memory_space<vmem>>, %arg7: memref<10240xf32, #tpu.memory_space<vmem_shared>>, %arg8: memref<!tpu.dma_semaphore, #tpu.memory_space<semaphore_mem>>) attributes {dimension_semantics = [#tpu.dimension_semantics<core_parallel>, #tpu.dimension_semantics<subcore_parallel>], iteration_bounds = array<i64: 2, 16>, scalar_prefetch = 0 : i64, scratch_operands = 5 : i64, tpu.core_type = #tpu.core_type<sc_vector_subcore>, window_params = [{transform_indices = #map}, {transform_indices = #map1}]} {
    %mul3A = arith.constant 16 : i32
    %mul3A_0 = arith.muli %arg0, %mul3A : i32
    %add3A = arith.addi %mul3A_0, %arg1 : i32
    %scan3A = arith.constant 0 : i32
    %scan3A_1 = arith.constant 0 : i32
    %scan3A_2 = arith.constant 40 : i32
    %scan3A_3 = arith.addi %scan3A_1, %scan3A_2 : i32
    %scan3A_4 = arith.constant 1 : i32
    %scan3A_5 = scf.for %scan3A_37 = %scan3A_1 to %scan3A_3 step %scan3A_4 iter_args(%scan3A_38 = %scan3A) -> (i32)  : i32 {
      %broadcast_in_dim3A = arith.constant 0.000000e+00 : f32
      %broadcast_in_dim3A_39 = vector.broadcast %broadcast_in_dim3A : f32 to vector<16xf32>
      %mul3A_40 = arith.constant 16 : i32
      %mul3A_41 = arith.muli %scan3A_37, %mul3A_40 : i32
      %swap3A = arith.index_cast %mul3A_41 : i32 to index
      %swap3A_42 = tpu.vector_load %arg6[%swap3A] {strides = array<i32>} : memref<640xf32, #tpu.memory_space<vmem>>, vector<16xf32>,
      %swap3A_43 = vector.shape_cast %swap3A_42 : vector<16xf32> to vector<16xf32>
      %swap3A_44 = vector.shape_cast %broadcast_in_dim3A_39 : vector<16xf32> to vector<16xf32>
      tpu.vector_store %arg6[%swap3A], %swap3A_44 {strides = array<i32>} : memref<640xf32, #tpu.memory_space<vmem>>, vector<16xf32>,
      %scan3A_45 = arith.constant 0 : i32
      scf.yield %scan3A_45 : i32
    }
    %scan3A_6 = arith.constant 40 : i32
    %scan3A_7 = arith.constant 0 : i32
    %scan3A_8 = arith.constant 0 : i32
    %scan3A_9 = arith.constant 8 : i32
    %scan3A_10 = arith.addi %scan3A_8, %scan3A_9 : i32
    %scan3A_11 = arith.constant 1 : i32
    %scan3A_12 = scf.for %scan3A_37 = %scan3A_8 to %scan3A_10 step %scan3A_11 iter_args(%scan3A_38 = %scan3A_7) -> (i32)  : i32 {
      %broadcast_in_dim3A = arith.constant 1.000000e+00 : f32
      %broadcast_in_dim3A_39 = vector.broadcast %broadcast_in_dim3A : f32 to vector<16xf32>
      %mul3A_40 = arith.constant 16 : i32
      %mul3A_41 = arith.muli %scan3A_37, %mul3A_40 : i32
      %swap3A = arith.index_cast %mul3A_41 : i32 to index
      %swap3A_42 = tpu.vector_load %arg5[%swap3A] {strides = array<i32>} : memref<128xf32, #tpu.memory_space<vmem>>, vector<16xf32>,
      %swap3A_43 = vector.shape_cast %swap3A_42 : vector<16xf32> to vector<16xf32>
      %swap3A_44 = vector.shape_cast %broadcast_in_dim3A_39 : vector<16xf32> to vector<16xf32>
      tpu.vector_store %arg5[%swap3A], %swap3A_44 {strides = array<i32>} : memref<128xf32, #tpu.memory_space<vmem>>, vector<16xf32>,
      %scan3A_45 = arith.constant 0 : i32
      scf.yield %scan3A_45 : i32
    }
    %scan3A_13 = arith.constant 8 : i32
    %mul3A_14 = arith.constant 640 : i32
    %mul3A_15 = arith.muli %arg1, %mul3A_14 : i32
    "tpu.region"() ({
      %run_scoped3A = tpu.sem_alloc : memref<!tpu.dma_semaphore, #tpu.memory_space<semaphore_mem>>
      %dma_start3A = tpu.memref_slice %arg7[%mul3A_15] : memref<10240xf32, #tpu.memory_space<vmem_shared>> -> memref<640xf32, #tpu.memory_space<vmem_shared>>
      %dma_start3A_37 = tpu.memref_slice %arg7[%mul3A_15] : memref<10240xf32, #tpu.memory_space<vmem_shared>> -> memref<640xf32, #tpu.memory_space<vmem_shared>>
      tpu.enqueue_dma source(%arg6 : memref<640xf32, #tpu.memory_space<vmem>>) target(%dma_start3A_37 : memref<640xf32, #tpu.memory_space<vmem_shared>>) target_semaphore(%run_scoped3A : memref<!tpu.dma_semaphore, #tpu.memory_space<semaphore_mem>>)
      %dma_wait3A = tpu.memref_slice %arg7[%mul3A_15] : memref<10240xf32, #tpu.memory_space<vmem_shared>> -> memref<640xf32, #tpu.memory_space<vmem_shared>>
      %dma_wait3A_38 = tpu.memref_slice %arg7[%mul3A_15] : memref<10240xf32, #tpu.memory_space<vmem_shared>> -> memref<640xf32, #tpu.memory_space<vmem_shared>>
      tpu.wait_dma2 semaphore(%run_scoped3A : memref<!tpu.dma_semaphore, #tpu.memory_space<semaphore_mem>>) src(%arg6 : memref<640xf32, #tpu.memory_space<vmem>>) dst(%dma_wait3A_38 : memref<640xf32, #tpu.memory_space<vmem_shared>>)
      tpu.yield
    }) : () -> ()
    %barrier3A = arith.constant 0 : index
    tpu.barrier barrier_id(%barrier3A)
    %mul3A_16 = arith.constant 79 : i32
    %mul3A_17 = arith.muli %arg0, %mul3A_16 : i32
    "tpu.region"() ({
      %run_scoped3A = tpu.sem_alloc : memref<!tpu.dma_semaphore, #tpu.memory_space<semaphore_mem>>
      %dma_start3A = arith.constant 0 : i32
      %dma_start3A_37 = tpu.memref_slice %arg2[%arg1, %mul3A_17, %dma_start3A] : memref<16x158x128xi32, #tpu.memory_space<hbm>> -> memref<1x79x128xi32, #tpu.memory_space<hbm>>
      %dma_start3A_38 = tpu.memref_squeeze %dma_start3A_37 : memref<1x79x128xi32, #tpu.memory_space<hbm>> -> memref<79x128xi32, #tpu.memory_space<hbm>>
      %dma_start3A_39 = arith.constant 0 : i32
      %dma_start3A_40 = tpu.memref_slice %arg2[%arg1, %mul3A_17, %dma_start3A_39] : memref<16x158x128xi32, #tpu.memory_space<hbm>> -> memref<1x79x128xi32, #tpu.memory_space<hbm>>
      %dma_start3A_41 = tpu.memref_squeeze %dma_start3A_40 : memref<1x79x128xi32, #tpu.memory_space<hbm>> -> memref<79x128xi32, #tpu.memory_space<hbm>>
      tpu.enqueue_dma source(%dma_start3A_41 : memref<79x128xi32, #tpu.memory_space<hbm>>) target(%arg4 : memref<79x128xi32, #tpu.memory_space<vmem>>) target_semaphore(%run_scoped3A : memref<!tpu.dma_semaphore, #tpu.memory_space<semaphore_mem>>)
      %dma_wait3A = arith.constant 0 : i32
      %dma_wait3A_42 = tpu.memref_slice %arg2[%arg1, %mul3A_17, %dma_wait3A] : memref<16x158x128xi32, #tpu.memory_space<hbm>> -> memref<1x79x128xi32, #tpu.memory_space<hbm>>
      %dma_wait3A_43 = tpu.memref_squeeze %dma_wait3A_42 : memref<1x79x128xi32, #tpu.memory_space<hbm>> -> memref<79x128xi32, #tpu.memory_space<hbm>>
      %dma_wait3A_44 = arith.constant 0 : i32
      %dma_wait3A_45 = tpu.memref_slice %arg2[%arg1, %mul3A_17, %dma_wait3A_44] : memref<16x158x128xi32, #tpu.memory_space<hbm>> -> memref<1x79x128xi32, #tpu.memory_space<hbm>>
      %dma_wait3A_46 = tpu.memref_squeeze %dma_wait3A_45 : memref<1x79x128xi32, #tpu.memory_space<hbm>> -> memref<79x128xi32, #tpu.memory_space<hbm>>
      tpu.wait_dma2 semaphore(%run_scoped3A : memref<!tpu.dma_semaphore, #tpu.memory_space<semaphore_mem>>) src(%dma_wait3A_46 : memref<79x128xi32, #tpu.memory_space<hbm>>) dst(%arg4 : memref<79x128xi32, #tpu.memory_space<vmem>>)
      tpu.yield
    }) : () -> ()
    %scan3A_18 = arith.constant 0 : i32
    %scan3A_19 = arith.constant 0 : i32
    %scan3A_20 = arith.constant 79 : i32
    %scan3A_21 = arith.addi %scan3A_19, %scan3A_20 : i32
    %scan3A_22 = arith.constant 1 : i32
    %scan3A_23 = scf.for %scan3A_37 = %scan3A_19 to %scan3A_21 step %scan3A_22 iter_args(%scan3A_38 = %scan3A_18) -> (i32)  : i32 {
      %dma_start3A = arith.constant 0 : i32
      %dma_start3A_39 = tpu.memref_slice %arg4[%scan3A_37, %dma_start3A] : memref<79x128xi32, #tpu.memory_space<vmem>> -> memref<1x128xi32, #tpu.memory_space<vmem>>
      %dma_start3A_40 = tpu.memref_squeeze %dma_start3A_39 : memref<1x128xi32, #tpu.memory_space<vmem>> -> memref<128xi32, #tpu.memory_space<vmem>>
      %dma_start3A_41 = arith.constant 0 : i32
      %dma_start3A_42 = tpu.memref_slice %arg7[%dma_start3A_41] : memref<10240xf32, #tpu.memory_space<vmem_shared>> -> memref<10240xf32, #tpu.memory_space<vmem_shared>>
      tpu.enqueue_indirect_dma source(%arg5 : memref<128xf32, #tpu.memory_space<vmem>>) target(%dma_start3A_42 : memref<10240xf32, #tpu.memory_space<vmem_shared>>) offsets(%dma_start3A_40 : memref<128xi32, #tpu.memory_space<vmem>>) semaphore(%arg8 : memref<!tpu.dma_semaphore, #tpu.memory_space<semaphore_mem>>) {add = true}
      %scan3A_43 = arith.constant 0 : i32
      scf.yield %scan3A_43 : i32
    }
    %scan3A_24 = arith.constant 79 : i32
    %scan3A_25 = arith.constant 0 : i32
    %scan3A_26 = arith.constant 0 : i32
    %scan3A_27 = arith.constant 79 : i32
    %scan3A_28 = arith.addi %scan3A_26, %scan3A_27 : i32
    %scan3A_29 = arith.constant 1 : i32
    %scan3A_30 = scf.for %scan3A_37 = %scan3A_26 to %scan3A_28 step %scan3A_29 iter_args(%scan3A_38 = %scan3A_25) -> (i32)  : i32 {
      %dma_wait3A = arith.constant 0 : i32
      %dma_wait3A_39 = tpu.memref_slice %arg4[%scan3A_37, %dma_wait3A] : memref<79x128xi32, #tpu.memory_space<vmem>> -> memref<1x128xi32, #tpu.memory_space<vmem>>
      %dma_wait3A_40 = tpu.memref_squeeze %dma_wait3A_39 : memref<1x128xi32, #tpu.memory_space<vmem>> -> memref<128xi32, #tpu.memory_space<vmem>>
      %dma_wait3A_41 = arith.constant 0 : i32
      %dma_wait3A_42 = tpu.memref_slice %arg7[%dma_wait3A_41] : memref<10240xf32, #tpu.memory_space<vmem_shared>> -> memref<10240xf32, #tpu.memory_space<vmem_shared>>
      tpu.wait_indirect_dma semaphore(%arg8 : memref<!tpu.dma_semaphore, #tpu.memory_space<semaphore_mem>>) src(%arg5 : memref<128xf32, #tpu.memory_space<vmem>>) dst(%dma_wait3A_42 : memref<10240xf32, #tpu.memory_space<vmem_shared>>)
      %scan3A_43 = arith.constant 0 : i32
      scf.yield %scan3A_43 : i32
    }
    %scan3A_31 = arith.constant 79 : i32
    %barrier3A_32 = arith.constant 0 : index
    tpu.barrier barrier_id(%barrier3A_32)
    %mul3A_33 = arith.constant 640 : i32
    %mul3A_34 = arith.muli %arg1, %mul3A_33 : i32
    %mul3A_35 = arith.constant 640 : i32
    %mul3A_36 = arith.muli %arg1, %mul3A_35 : i32
    "tpu.region"() ({
      %run_scoped3A = tpu.sem_alloc : memref<!tpu.dma_semaphore, #tpu.memory_space<semaphore_mem>>
      %dma_start3A = tpu.memref_slice %arg3[%arg0, %mul3A_36] : memref<2x10240xf32, #tpu.memory_space<hbm>> -> memref<1x640xf32, #tpu.memory_space<hbm>>
      %dma_start3A_37 = tpu.memref_squeeze %dma_start3A : memref<1x640xf32, #tpu.memory_space<hbm>> -> memref<640xf32, #tpu.memory_space<hbm>>
      %dma_start3A_38 = tpu.memref_slice %arg7[%mul3A_34] : memref<10240xf32, #tpu.memory_space<vmem_shared>> -> memref<640xf32, #tpu.memory_space<vmem_shared>>
      tpu.enqueue_dma source(%dma_start3A_38 : memref<640xf32, #tpu.memory_space<vmem_shared>>) target(%dma_start3A_37 : memref<640xf32, #tpu.memory_space<hbm>>) target_semaphore(%run_scoped3A : memref<!tpu.dma_semaphore, #tpu.memory_space<semaphore_mem>>)
      %dma_wait3A = tpu.memref_slice %arg3[%arg0, %mul3A_36] : memref<2x10240xf32, #tpu.memory_space<hbm>> -> memref<1x640xf32, #tpu.memory_space<hbm>>
      %dma_wait3A_39 = tpu.memref_squeeze %dma_wait3A : memref<1x640xf32, #tpu.memory_space<hbm>> -> memref<640xf32, #tpu.memory_space<hbm>>
      %dma_wait3A_40 = tpu.memref_slice %arg7[%mul3A_34] : memref<10240xf32, #tpu.memory_space<vmem_shared>> -> memref<640xf32, #tpu.memory_space<vmem_shared>>
      tpu.wait_dma2 semaphore(%run_scoped3A : memref<!tpu.dma_semaphore, #tpu.memory_space<semaphore_mem>>) src(%dma_wait3A_40 : memref<640xf32, #tpu.memory_space<vmem_shared>>) dst(%dma_wait3A_39 : memref<640xf32, #tpu.memory_space<hbm>>)
      tpu.yield
    }) : () -> ()
    return
  }
}

#map = affine_map<(d0, d1) -> (0, 0)>
#map1 = affine_map<(d0, d1) -> (0, 0, 0)>
module attributes {stable_mosaic.version = 14 : i64} {
  func.func @_agg_body(%arg0: i32, %arg1: i32, %arg2: memref<16x20224xi32, #tpu.memory_space<hbm>>, %arg3: memref<16x158x128xi32, #tpu.memory_space<hbm>>, %arg4: memref<20480x64xbf16, #tpu.memory_space<hbm>>, %arg5: memref<2x10240x64xbf16, #tpu.memory_space<hbm>>, %arg6: memref<20224xi32, #tpu.memory_space<vmem>>, %arg7: memref<158x128xi32, #tpu.memory_space<vmem>>, %arg8: memref<128x64xbf16, #tpu.memory_space<vmem>>, %arg9: memref<128x64xbf16, #tpu.memory_space<vmem>>, %arg10: memref<10240x64xbf16, #tpu.memory_space<vmem_shared>>, %arg11: memref<!tpu.dma_semaphore, #tpu.memory_space<semaphore_mem>>, %arg12: memref<!tpu.dma_semaphore, #tpu.memory_space<semaphore_mem>>, %arg13: memref<!tpu.dma_semaphore, #tpu.memory_space<semaphore_mem>>, %arg14: memref<!tpu.dma_semaphore, #tpu.memory_space<semaphore_mem>>) attributes {dimension_semantics = [#tpu.dimension_semantics<core_parallel>, #tpu.dimension_semantics<subcore_parallel>], iteration_bounds = array<i64: 2, 16>, scalar_prefetch = 0 : i64, scratch_operands = 9 : i64, tpu.core_type = #tpu.core_type<sc_vector_subcore>, window_params = [{transform_indices = #map}, {transform_indices = #map1}, {transform_indices = #map}, {transform_indices = #map1}]} {
    %scan3A = arith.constant 0 : i32
    %scan3A_0 = arith.constant 0 : i32
    %scan3A_1 = arith.constant 128 : i32
    %scan3A_2 = arith.addi %scan3A_0, %scan3A_1 : i32
    %scan3A_3 = arith.constant 1 : i32
    %scan3A_4 = scf.for %scan3A_71 = %scan3A_0 to %scan3A_2 step %scan3A_3 iter_args(%scan3A_72 = %scan3A) -> (i32)  : i32 {
      %broadcast_in_dim3A = arith.constant 0.000000e+00 : bf16
      %broadcast_in_dim3A_73 = vector.broadcast %broadcast_in_dim3A : bf16 to vector<32xbf16>
      %swap3A = arith.index_cast %scan3A_71 : i32 to index
      %swap3A_74 = arith.constant 0 : index
      %swap3A_75 = tpu.vector_load %arg8[%swap3A, %swap3A_74] {strides = array<i32>} : memref<128x64xbf16, #tpu.memory_space<vmem>>, vector<1x32xbf16>,
      %swap3A_76 = vector.shape_cast %swap3A_75 : vector<1x32xbf16> to vector<32xbf16>
      %swap3A_77 = vector.shape_cast %broadcast_in_dim3A_73 : vector<32xbf16> to vector<1x32xbf16>
      tpu.vector_store %arg8[%swap3A, %swap3A_74], %swap3A_77 {strides = array<i32>} : memref<128x64xbf16, #tpu.memory_space<vmem>>, vector<1x32xbf16>,
      %broadcast_in_dim3A_78 = arith.constant 0.000000e+00 : bf16
      %broadcast_in_dim3A_79 = vector.broadcast %broadcast_in_dim3A_78 : bf16 to vector<32xbf16>
      %swap3A_80 = arith.index_cast %scan3A_71 : i32 to index
      %swap3A_81 = arith.constant 32 : index
      %swap3A_82 = tpu.vector_load %arg8[%swap3A_80, %swap3A_81] {strides = array<i32>} : memref<128x64xbf16, #tpu.memory_space<vmem>>, vector<1x32xbf16>,
      %swap3A_83 = vector.shape_cast %swap3A_82 : vector<1x32xbf16> to vector<32xbf16>
      %swap3A_84 = vector.shape_cast %broadcast_in_dim3A_79 : vector<32xbf16> to vector<1x32xbf16>
      tpu.vector_store %arg8[%swap3A_80, %swap3A_81], %swap3A_84 {strides = array<i32>} : memref<128x64xbf16, #tpu.memory_space<vmem>>, vector<1x32xbf16>,
      %scan3A_85 = arith.constant 0 : i32
      scf.yield %scan3A_85 : i32
    }
    %scan3A_5 = arith.constant 128 : i32
    %mul3A = arith.constant 640 : i32
    %mul3A_6 = arith.muli %arg1, %mul3A : i32
    %add3A = arith.constant 0 : i32
    %add3A_7 = arith.addi %mul3A_6, %add3A : i32
    "tpu.region"() ({
      %run_scoped3A = tpu.sem_alloc : memref<!tpu.dma_semaphore, #tpu.memory_space<semaphore_mem>>
      %dma_start3A_71 = arith.constant 0 : i32
      %dma_start3A_72 = arith.constant 0 : i32
      %dma_start3A_73 = tpu.memref_slice %arg8[%dma_start3A_71, %dma_start3A_72] : memref<128x64xbf16, #tpu.memory_space<vmem>> -> memref<128x64xbf16, #tpu.memory_space<vmem>>
      %dma_start3A_74 = arith.constant 0 : i32
      %dma_start3A_75 = tpu.memref_slice %arg10[%add3A_7, %dma_start3A_74] : memref<10240x64xbf16, #tpu.memory_space<vmem_shared>> -> memref<128x64xbf16, #tpu.memory_space<vmem_shared>>
      %dma_start3A_76 = arith.constant 0 : i32
      %dma_start3A_77 = tpu.memref_slice %arg10[%add3A_7, %dma_start3A_76] : memref<10240x64xbf16, #tpu.memory_space<vmem_shared>> -> memref<128x64xbf16, #tpu.memory_space<vmem_shared>>
      %dma_start3A_78 = arith.constant 0 : i32
      %dma_start3A_79 = arith.constant 0 : i32
      %dma_start3A_80 = tpu.memref_slice %arg8[%dma_start3A_78, %dma_start3A_79] : memref<128x64xbf16, #tpu.memory_space<vmem>> -> memref<128x64xbf16, #tpu.memory_space<vmem>>
      tpu.enqueue_dma source(%dma_start3A_80 : memref<128x64xbf16, #tpu.memory_space<vmem>>) target(%dma_start3A_77 : memref<128x64xbf16, #tpu.memory_space<vmem_shared>>) target_semaphore(%run_scoped3A : memref<!tpu.dma_semaphore, #tpu.memory_space<semaphore_mem>>)
      %dma_wait3A_81 = arith.constant 0 : i32
      %dma_wait3A_82 = arith.constant 0 : i32
      %dma_wait3A_83 = tpu.memref_slice %arg8[%dma_wait3A_81, %dma_wait3A_82] : memref<128x64xbf16, #tpu.memory_space<vmem>> -> memref<128x64xbf16, #tpu.memory_space<vmem>>
      %dma_wait3A_84 = arith.constant 0 : i32
      %dma_wait3A_85 = tpu.memref_slice %arg10[%add3A_7, %dma_wait3A_84] : memref<10240x64xbf16, #tpu.memory_space<vmem_shared>> -> memref<128x64xbf16, #tpu.memory_space<vmem_shared>>
      %dma_wait3A_86 = arith.constant 0 : i32
      %dma_wait3A_87 = tpu.memref_slice %arg10[%add3A_7, %dma_wait3A_86] : memref<10240x64xbf16, #tpu.memory_space<vmem_shared>> -> memref<128x64xbf16, #tpu.memory_space<vmem_shared>>
      %dma_wait3A_88 = arith.constant 0 : i32
      %dma_wait3A_89 = arith.constant 0 : i32
      %dma_wait3A_90 = tpu.memref_slice %arg8[%dma_wait3A_88, %dma_wait3A_89] : memref<128x64xbf16, #tpu.memory_space<vmem>> -> memref<128x64xbf16, #tpu.memory_space<vmem>>
      tpu.wait_dma2 semaphore(%run_scoped3A : memref<!tpu.dma_semaphore, #tpu.memory_space<semaphore_mem>>) src(%dma_wait3A_90 : memref<128x64xbf16, #tpu.memory_space<vmem>>) dst(%dma_wait3A_87 : memref<128x64xbf16, #tpu.memory_space<vmem_shared>>)
      tpu.yield
    }) : () -> ()
    %mul3A_8 = arith.constant 640 : i32
    %mul3A_9 = arith.muli %arg1, %mul3A_8 : i32
    %add3A_10 = arith.constant 128 : i32
    %add3A_11 = arith.addi %mul3A_9, %add3A_10 : i32
    "tpu.region"() ({
      %run_scoped3A = tpu.sem_alloc : memref<!tpu.dma_semaphore, #tpu.memory_space<semaphore_mem>>
      %dma_start3A_71 = arith.constant 0 : i32
      %dma_start3A_72 = arith.constant 0 : i32
      %dma_start3A_73 = tpu.memref_slice %arg8[%dma_start3A_71, %dma_start3A_72] : memref<128x64xbf16, #tpu.memory_space<vmem>> -> memref<128x64xbf16, #tpu.memory_space<vmem>>
      %dma_start3A_74 = arith.constant 0 : i32
      %dma_start3A_75 = tpu.memref_slice %arg10[%add3A_11, %dma_start3A_74] : memref<10240x64xbf16, #tpu.memory_space<vmem_shared>> -> memref<128x64xbf16, #tpu.memory_space<vmem_shared>>
      %dma_start3A_76 = arith.constant 0 : i32
      %dma_start3A_77 = tpu.memref_slice %arg10[%add3A_11, %dma_start3A_76] : memref<10240x64xbf16, #tpu.memory_space<vmem_shared>> -> memref<128x64xbf16, #tpu.memory_space<vmem_shared>>
      %dma_start3A_78 = arith.constant 0 : i32
      %dma_start3A_79 = arith.constant 0 : i32
      %dma_start3A_80 = tpu.memref_slice %arg8[%dma_start3A_78, %dma_start3A_79] : memref<128x64xbf16, #tpu.memory_space<vmem>> -> memref<128x64xbf16, #tpu.memory_space<vmem>>
      tpu.enqueue_dma source(%dma_start3A_80 : memref<128x64xbf16, #tpu.memory_space<vmem>>) target(%dma_start3A_77 : memref<128x64xbf16, #tpu.memory_space<vmem_shared>>) target_semaphore(%run_scoped3A : memref<!tpu.dma_semaphore, #tpu.memory_space<semaphore_mem>>)
      %dma_wait3A_81 = arith.constant 0 : i32
      %dma_wait3A_82 = arith.constant 0 : i32
      %dma_wait3A_83 = tpu.memref_slice %arg8[%dma_wait3A_81, %dma_wait3A_82] : memref<128x64xbf16, #tpu.memory_space<vmem>> -> memref<128x64xbf16, #tpu.memory_space<vmem>>
      %dma_wait3A_84 = arith.constant 0 : i32
      %dma_wait3A_85 = tpu.memref_slice %arg10[%add3A_11, %dma_wait3A_84] : memref<10240x64xbf16, #tpu.memory_space<vmem_shared>> -> memref<128x64xbf16, #tpu.memory_space<vmem_shared>>
      %dma_wait3A_86 = arith.constant 0 : i32
      %dma_wait3A_87 = tpu.memref_slice %arg10[%add3A_11, %dma_wait3A_86] : memref<10240x64xbf16, #tpu.memory_space<vmem_shared>> -> memref<128x64xbf16, #tpu.memory_space<vmem_shared>>
      %dma_wait3A_88 = arith.constant 0 : i32
      %dma_wait3A_89 = arith.constant 0 : i32
      %dma_wait3A_90 = tpu.memref_slice %arg8[%dma_wait3A_88, %dma_wait3A_89] : memref<128x64xbf16, #tpu.memory_space<vmem>> -> memref<128x64xbf16, #tpu.memory_space<vmem>>
      tpu.wait_dma2 semaphore(%run_scoped3A : memref<!tpu.dma_semaphore, #tpu.memory_space<semaphore_mem>>) src(%dma_wait3A_90 : memref<128x64xbf16, #tpu.memory_space<vmem>>) dst(%dma_wait3A_87 : memref<128x64xbf16, #tpu.memory_space<vmem_shared>>)
      tpu.yield
    }) : () -> ()
    %mul3A_12 = arith.constant 640 : i32
    %mul3A_13 = arith.muli %arg1, %mul3A_12 : i32
    %add3A_14 = arith.constant 256 : i32
    %add3A_15 = arith.addi %mul3A_13, %add3A_14 : i32
    "tpu.region"() ({
      %run_scoped3A = tpu.sem_alloc : memref<!tpu.dma_semaphore, #tpu.memory_space<semaphore_mem>>
      %dma_start3A_71 = arith.constant 0 : i32
      %dma_start3A_72 = arith.constant 0 : i32
      %dma_start3A_73 = tpu.memref_slice %arg8[%dma_start3A_71, %dma_start3A_72] : memref<128x64xbf16, #tpu.memory_space<vmem>> -> memref<128x64xbf16, #tpu.memory_space<vmem>>
      %dma_start3A_74 = arith.constant 0 : i32
      %dma_start3A_75 = tpu.memref_slice %arg10[%add3A_15, %dma_start3A_74] : memref<10240x64xbf16, #tpu.memory_space<vmem_shared>> -> memref<128x64xbf16, #tpu.memory_space<vmem_shared>>
      %dma_start3A_76 = arith.constant 0 : i32
      %dma_start3A_77 = tpu.memref_slice %arg10[%add3A_15, %dma_start3A_76] : memref<10240x64xbf16, #tpu.memory_space<vmem_shared>> -> memref<128x64xbf16, #tpu.memory_space<vmem_shared>>
      %dma_start3A_78 = arith.constant 0 : i32
      %dma_start3A_79 = arith.constant 0 : i32
      %dma_start3A_80 = tpu.memref_slice %arg8[%dma_start3A_78, %dma_start3A_79] : memref<128x64xbf16, #tpu.memory_space<vmem>> -> memref<128x64xbf16, #tpu.memory_space<vmem>>
      tpu.enqueue_dma source(%dma_start3A_80 : memref<128x64xbf16, #tpu.memory_space<vmem>>) target(%dma_start3A_77 : memref<128x64xbf16, #tpu.memory_space<vmem_shared>>) target_semaphore(%run_scoped3A : memref<!tpu.dma_semaphore, #tpu.memory_space<semaphore_mem>>)
      %dma_wait3A_81 = arith.constant 0 : i32
      %dma_wait3A_82 = arith.constant 0 : i32
      %dma_wait3A_83 = tpu.memref_slice %arg8[%dma_wait3A_81, %dma_wait3A_82] : memref<128x64xbf16, #tpu.memory_space<vmem>> -> memref<128x64xbf16, #tpu.memory_space<vmem>>
      %dma_wait3A_84 = arith.constant 0 : i32
      %dma_wait3A_85 = tpu.memref_slice %arg10[%add3A_15, %dma_wait3A_84] : memref<10240x64xbf16, #tpu.memory_space<vmem_shared>> -> memref<128x64xbf16, #tpu.memory_space<vmem_shared>>
      %dma_wait3A_86 = arith.constant 0 : i32
      %dma_wait3A_87 = tpu.memref_slice %arg10[%add3A_15, %dma_wait3A_86] : memref<10240x64xbf16, #tpu.memory_space<vmem_shared>> -> memref<128x64xbf16, #tpu.memory_space<vmem_shared>>
      %dma_wait3A_88 = arith.constant 0 : i32
      %dma_wait3A_89 = arith.constant 0 : i32
      %dma_wait3A_90 = tpu.memref_slice %arg8[%dma_wait3A_88, %dma_wait3A_89] : memref<128x64xbf16, #tpu.memory_space<vmem>> -> memref<128x64xbf16, #tpu.memory_space<vmem>>
      tpu.wait_dma2 semaphore(%run_scoped3A : memref<!tpu.dma_semaphore, #tpu.memory_space<semaphore_mem>>) src(%dma_wait3A_90 : memref<128x64xbf16, #tpu.memory_space<vmem>>) dst(%dma_wait3A_87 : memref<128x64xbf16, #tpu.memory_space<vmem_shared>>)
      tpu.yield
    }) : () -> ()
    %mul3A_16 = arith.constant 640 : i32
    %mul3A_17 = arith.muli %arg1, %mul3A_16 : i32
    %add3A_18 = arith.constant 384 : i32
    %add3A_19 = arith.addi %mul3A_17, %add3A_18 : i32
    "tpu.region"() ({
      %run_scoped3A = tpu.sem_alloc : memref<!tpu.dma_semaphore, #tpu.memory_space<semaphore_mem>>
      %dma_start3A_71 = arith.constant 0 : i32
      %dma_start3A_72 = arith.constant 0 : i32
      %dma_start3A_73 = tpu.memref_slice %arg8[%dma_start3A_71, %dma_start3A_72] : memref<128x64xbf16, #tpu.memory_space<vmem>> -> memref<128x64xbf16, #tpu.memory_space<vmem>>
      %dma_start3A_74 = arith.constant 0 : i32
      %dma_start3A_75 = tpu.memref_slice %arg10[%add3A_19, %dma_start3A_74] : memref<10240x64xbf16, #tpu.memory_space<vmem_shared>> -> memref<128x64xbf16, #tpu.memory_space<vmem_shared>>
      %dma_start3A_76 = arith.constant 0 : i32
      %dma_start3A_77 = tpu.memref_slice %arg10[%add3A_19, %dma_start3A_76] : memref<10240x64xbf16, #tpu.memory_space<vmem_shared>> -> memref<128x64xbf16, #tpu.memory_space<vmem_shared>>
      %dma_start3A_78 = arith.constant 0 : i32
      %dma_start3A_79 = arith.constant 0 : i32
      %dma_start3A_80 = tpu.memref_slice %arg8[%dma_start3A_78, %dma_start3A_79] : memref<128x64xbf16, #tpu.memory_space<vmem>> -> memref<128x64xbf16, #tpu.memory_space<vmem>>
      tpu.enqueue_dma source(%dma_start3A_80 : memref<128x64xbf16, #tpu.memory_space<vmem>>) target(%dma_start3A_77 : memref<128x64xbf16, #tpu.memory_space<vmem_shared>>) target_semaphore(%run_scoped3A : memref<!tpu.dma_semaphore, #tpu.memory_space<semaphore_mem>>)
      %dma_wait3A_81 = arith.constant 0 : i32
      %dma_wait3A_82 = arith.constant 0 : i32
      %dma_wait3A_83 = tpu.memref_slice %arg8[%dma_wait3A_81, %dma_wait3A_82] : memref<128x64xbf16, #tpu.memory_space<vmem>> -> memref<128x64xbf16, #tpu.memory_space<vmem>>
      %dma_wait3A_84 = arith.constant 0 : i32
      %dma_wait3A_85 = tpu.memref_slice %arg10[%add3A_19, %dma_wait3A_84] : memref<10240x64xbf16, #tpu.memory_space<vmem_shared>> -> memref<128x64xbf16, #tpu.memory_space<vmem_shared>>
      %dma_wait3A_86 = arith.constant 0 : i32
      %dma_wait3A_87 = tpu.memref_slice %arg10[%add3A_19, %dma_wait3A_86] : memref<10240x64xbf16, #tpu.memory_space<vmem_shared>> -> memref<128x64xbf16, #tpu.memory_space<vmem_shared>>
      %dma_wait3A_88 = arith.constant 0 : i32
      %dma_wait3A_89 = arith.constant 0 : i32
      %dma_wait3A_90 = tpu.memref_slice %arg8[%dma_wait3A_88, %dma_wait3A_89] : memref<128x64xbf16, #tpu.memory_space<vmem>> -> memref<128x64xbf16, #tpu.memory_space<vmem>>
      tpu.wait_dma2 semaphore(%run_scoped3A : memref<!tpu.dma_semaphore, #tpu.memory_space<semaphore_mem>>) src(%dma_wait3A_90 : memref<128x64xbf16, #tpu.memory_space<vmem>>) dst(%dma_wait3A_87 : memref<128x64xbf16, #tpu.memory_space<vmem_shared>>)
      tpu.yield
    }) : () -> ()
    %mul3A_20 = arith.constant 640 : i32
    %mul3A_21 = arith.muli %arg1, %mul3A_20 : i32
    %add3A_22 = arith.constant 512 : i32
    %add3A_23 = arith.addi %mul3A_21, %add3A_22 : i32
    "tpu.region"() ({
      %run_scoped3A = tpu.sem_alloc : memref<!tpu.dma_semaphore, #tpu.memory_space<semaphore_mem>>
      %dma_start3A_71 = arith.constant 0 : i32
      %dma_start3A_72 = arith.constant 0 : i32
      %dma_start3A_73 = tpu.memref_slice %arg8[%dma_start3A_71, %dma_start3A_72] : memref<128x64xbf16, #tpu.memory_space<vmem>> -> memref<128x64xbf16, #tpu.memory_space<vmem>>
      %dma_start3A_74 = arith.constant 0 : i32
      %dma_start3A_75 = tpu.memref_slice %arg10[%add3A_23, %dma_start3A_74] : memref<10240x64xbf16, #tpu.memory_space<vmem_shared>> -> memref<128x64xbf16, #tpu.memory_space<vmem_shared>>
      %dma_start3A_76 = arith.constant 0 : i32
      %dma_start3A_77 = tpu.memref_slice %arg10[%add3A_23, %dma_start3A_76] : memref<10240x64xbf16, #tpu.memory_space<vmem_shared>> -> memref<128x64xbf16, #tpu.memory_space<vmem_shared>>
      %dma_start3A_78 = arith.constant 0 : i32
      %dma_start3A_79 = arith.constant 0 : i32
      %dma_start3A_80 = tpu.memref_slice %arg8[%dma_start3A_78, %dma_start3A_79] : memref<128x64xbf16, #tpu.memory_space<vmem>> -> memref<128x64xbf16, #tpu.memory_space<vmem>>
      tpu.enqueue_dma source(%dma_start3A_80 : memref<128x64xbf16, #tpu.memory_space<vmem>>) target(%dma_start3A_77 : memref<128x64xbf16, #tpu.memory_space<vmem_shared>>) target_semaphore(%run_scoped3A : memref<!tpu.dma_semaphore, #tpu.memory_space<semaphore_mem>>)
      %dma_wait3A_81 = arith.constant 0 : i32
      %dma_wait3A_82 = arith.constant 0 : i32
      %dma_wait3A_83 = tpu.memref_slice %arg8[%dma_wait3A_81, %dma_wait3A_82] : memref<128x64xbf16, #tpu.memory_space<vmem>> -> memref<128x64xbf16, #tpu.memory_space<vmem>>
      %dma_wait3A_84 = arith.constant 0 : i32
      %dma_wait3A_85 = tpu.memref_slice %arg10[%add3A_23, %dma_wait3A_84] : memref<10240x64xbf16, #tpu.memory_space<vmem_shared>> -> memref<128x64xbf16, #tpu.memory_space<vmem_shared>>
      %dma_wait3A_86 = arith.constant 0 : i32
      %dma_wait3A_87 = tpu.memref_slice %arg10[%add3A_23, %dma_wait3A_86] : memref<10240x64xbf16, #tpu.memory_space<vmem_shared>> -> memref<128x64xbf16, #tpu.memory_space<vmem_shared>>
      %dma_wait3A_88 = arith.constant 0 : i32
      %dma_wait3A_89 = arith.constant 0 : i32
      %dma_wait3A_90 = tpu.memref_slice %arg8[%dma_wait3A_88, %dma_wait3A_89] : memref<128x64xbf16, #tpu.memory_space<vmem>> -> memref<128x64xbf16, #tpu.memory_space<vmem>>
      tpu.wait_dma2 semaphore(%run_scoped3A : memref<!tpu.dma_semaphore, #tpu.memory_space<semaphore_mem>>) src(%dma_wait3A_90 : memref<128x64xbf16, #tpu.memory_space<vmem>>) dst(%dma_wait3A_87 : memref<128x64xbf16, #tpu.memory_space<vmem_shared>>)
      tpu.yield
    }) : () -> ()
    "tpu.region"() ({
      %run_scoped3A = tpu.sem_alloc : memref<!tpu.dma_semaphore, #tpu.memory_space<semaphore_mem>>
      %dma_start3A_71 = arith.constant 0 : i32
      %dma_start3A_72 = tpu.memref_slice %arg2[%arg1, %dma_start3A_71] : memref<16x20224xi32, #tpu.memory_space<hbm>> -> memref<1x20224xi32, #tpu.memory_space<hbm>>
      %dma_start3A_73 = tpu.memref_squeeze %dma_start3A_72 : memref<1x20224xi32, #tpu.memory_space<hbm>> -> memref<20224xi32, #tpu.memory_space<hbm>>
      %dma_start3A_74 = arith.constant 0 : i32
      %dma_start3A_75 = tpu.memref_slice %arg2[%arg1, %dma_start3A_74] : memref<16x20224xi32, #tpu.memory_space<hbm>> -> memref<1x20224xi32, #tpu.memory_space<hbm>>
      %dma_start3A_76 = tpu.memref_squeeze %dma_start3A_75 : memref<1x20224xi32, #tpu.memory_space<hbm>> -> memref<20224xi32, #tpu.memory_space<hbm>>
      tpu.enqueue_dma source(%dma_start3A_76 : memref<20224xi32, #tpu.memory_space<hbm>>) target(%arg6 : memref<20224xi32, #tpu.memory_space<vmem>>) target_semaphore(%run_scoped3A : memref<!tpu.dma_semaphore, #tpu.memory_space<semaphore_mem>>)
      %dma_wait3A_77 = arith.constant 0 : i32
      %dma_wait3A_78 = tpu.memref_slice %arg2[%arg1, %dma_wait3A_77] : memref<16x20224xi32, #tpu.memory_space<hbm>> -> memref<1x20224xi32, #tpu.memory_space<hbm>>
      %dma_wait3A_79 = tpu.memref_squeeze %dma_wait3A_78 : memref<1x20224xi32, #tpu.memory_space<hbm>> -> memref<20224xi32, #tpu.memory_space<hbm>>
      %dma_wait3A_80 = arith.constant 0 : i32
      %dma_wait3A_81 = tpu.memref_slice %arg2[%arg1, %dma_wait3A_80] : memref<16x20224xi32, #tpu.memory_space<hbm>> -> memref<1x20224xi32, #tpu.memory_space<hbm>>
      %dma_wait3A_82 = tpu.memref_squeeze %dma_wait3A_81 : memref<1x20224xi32, #tpu.memory_space<hbm>> -> memref<20224xi32, #tpu.memory_space<hbm>>
      tpu.wait_dma2 semaphore(%run_scoped3A : memref<!tpu.dma_semaphore, #tpu.memory_space<semaphore_mem>>) src(%dma_wait3A_82 : memref<20224xi32, #tpu.memory_space<hbm>>) dst(%arg6 : memref<20224xi32, #tpu.memory_space<vmem>>)
      tpu.yield
    }) : () -> ()
    "tpu.region"() ({
      %run_scoped3A = tpu.sem_alloc : memref<!tpu.dma_semaphore, #tpu.memory_space<semaphore_mem>>
      %dma_start3A_71 = arith.constant 0 : i32
      %dma_start3A_72 = arith.constant 0 : i32
      %dma_start3A_73 = tpu.memref_slice %arg3[%arg1, %dma_start3A_71, %dma_start3A_72] : memref<16x158x128xi32, #tpu.memory_space<hbm>> -> memref<1x158x128xi32, #tpu.memory_space<hbm>>
      %dma_start3A_74 = tpu.memref_squeeze %dma_start3A_73 : memref<1x158x128xi32, #tpu.memory_space<hbm>> -> memref<158x128xi32, #tpu.memory_space<hbm>>
      %dma_start3A_75 = arith.constant 0 : i32
      %dma_start3A_76 = arith.constant 0 : i32
      %dma_start3A_77 = tpu.memref_slice %arg3[%arg1, %dma_start3A_75, %dma_start3A_76] : memref<16x158x128xi32, #tpu.memory_space<hbm>> -> memref<1x158x128xi32, #tpu.memory_space<hbm>>
      %dma_start3A_78 = tpu.memref_squeeze %dma_start3A_77 : memref<1x158x128xi32, #tpu.memory_space<hbm>> -> memref<158x128xi32, #tpu.memory_space<hbm>>
      tpu.enqueue_dma source(%dma_start3A_78 : memref<158x128xi32, #tpu.memory_space<hbm>>) target(%arg7 : memref<158x128xi32, #tpu.memory_space<vmem>>) target_semaphore(%run_scoped3A : memref<!tpu.dma_semaphore, #tpu.memory_space<semaphore_mem>>)
      %dma_wait3A_79 = arith.constant 0 : i32
      %dma_wait3A_80 = arith.constant 0 : i32
      %dma_wait3A_81 = tpu.memref_slice %arg3[%arg1, %dma_wait3A_79, %dma_wait3A_80] : memref<16x158x128xi32, #tpu.memory_space<hbm>> -> memref<1x158x128xi32, #tpu.memory_space<hbm>>
      %dma_wait3A_82 = tpu.memref_squeeze %dma_wait3A_81 : memref<1x158x128xi32, #tpu.memory_space<hbm>> -> memref<158x128xi32, #tpu.memory_space<hbm>>
      %dma_wait3A_83 = arith.constant 0 : i32
      %dma_wait3A_84 = arith.constant 0 : i32
      %dma_wait3A_85 = tpu.memref_slice %arg3[%arg1, %dma_wait3A_83, %dma_wait3A_84] : memref<16x158x128xi32, #tpu.memory_space<hbm>> -> memref<1x158x128xi32, #tpu.memory_space<hbm>>
      %dma_wait3A_86 = tpu.memref_squeeze %dma_wait3A_85 : memref<1x158x128xi32, #tpu.memory_space<hbm>> -> memref<158x128xi32, #tpu.memory_space<hbm>>
      tpu.wait_dma2 semaphore(%run_scoped3A : memref<!tpu.dma_semaphore, #tpu.memory_space<semaphore_mem>>) src(%dma_wait3A_86 : memref<158x128xi32, #tpu.memory_space<hbm>>) dst(%arg7 : memref<158x128xi32, #tpu.memory_space<vmem>>)
      tpu.yield
    }) : () -> ()
    %mul3A_24 = arith.constant 10240 : i32
    %mul3A_25 = arith.muli %arg0, %mul3A_24 : i32
    %scan3A_26 = arith.constant 0 : i32
    %scan3A_27 = arith.constant 0 : i32
    %scan3A_28 = arith.constant 1264 : i32
    %scan3A_29 = arith.addi %scan3A_27, %scan3A_28 : i32
    %scan3A_30 = arith.constant 1 : i32
    %scan3A_31 = scf.for %scan3A_71 = %scan3A_27 to %scan3A_29 step %scan3A_30 iter_args(%scan3A_72 = %scan3A_26) -> (i32)  : i32 {
      %mul3A_73 = arith.constant 16 : i32
      %mul3A_74 = arith.muli %scan3A_71, %mul3A_73 : i32
      %get3A = arith.index_cast %mul3A_74 : i32 to index
      %get3A_75 = tpu.vector_load %arg6[%get3A] {strides = array<i32>} : memref<20224xi32, #tpu.memory_space<vmem>>, vector<16xi32>,
      %get3A_76 = vector.shape_cast %get3A_75 : vector<16xi32> to vector<16xi32>
      %add3A_77 = vector.broadcast %mul3A_25 : i32 to vector<16xi32>
      %add3A_78 = arith.addi %get3A_76, %add3A_77 : vector<16xi32>
      %swap3A = arith.index_cast %mul3A_74 : i32 to index
      %swap3A_79 = tpu.vector_load %arg6[%swap3A] {strides = array<i32>} : memref<20224xi32, #tpu.memory_space<vmem>>, vector<16xi32>,
      %swap3A_80 = vector.shape_cast %swap3A_79 : vector<16xi32> to vector<16xi32>
      %swap3A_81 = vector.shape_cast %add3A_78 : vector<16xi32> to vector<16xi32>
      tpu.vector_store %arg6[%swap3A], %swap3A_81 {strides = array<i32>} : memref<20224xi32, #tpu.memory_space<vmem>>, vector<16xi32>,
      %scan3A_82 = arith.constant 0 : i32
      scf.yield %scan3A_82 : i32
    }
    %scan3A_32 = arith.constant 1264 : i32
    %barrier3A = arith.constant 0 : index
    tpu.barrier barrier_id(%barrier3A)
    %dma_start3A = arith.constant 0 : i32
    %dma_start3A_33 = tpu.memref_slice %arg6[%dma_start3A] : memref<20224xi32, #tpu.memory_space<vmem>> -> memref<128xi32, #tpu.memory_space<vmem>>
    %dma_start3A_34 = arith.constant 0 : i32
    %dma_start3A_35 = arith.constant 0 : i32
    %dma_start3A_36 = tpu.memref_slice %arg4[%dma_start3A_34, %dma_start3A_35] : memref<20480x64xbf16, #tpu.memory_space<hbm>> -> memref<20480x64xbf16, #tpu.memory_space<hbm>>
    tpu.enqueue_indirect_dma source(%dma_start3A_36 : memref<20480x64xbf16, #tpu.memory_space<hbm>>) target(%arg8 : memref<128x64xbf16, #tpu.memory_space<vmem>>) offsets(%dma_start3A_33 : memref<128xi32, #tpu.memory_space<vmem>>) semaphore(%arg11 : memref<!tpu.dma_semaphore, #tpu.memory_space<semaphore_mem>>)
    %scan3A_37 = arith.constant 0 : i32
    %scan3A_38 = arith.constant 0 : i32
    %scan3A_39 = arith.constant 79 : i32
    %scan3A_40 = arith.addi %scan3A_38, %scan3A_39 : i32
    %scan3A_41 = arith.constant 1 : i32
    %scan3A_42 = scf.for %scan3A_71 = %scan3A_38 to %scan3A_40 step %scan3A_41 iter_args(%scan3A_72 = %scan3A_37) -> (i32)  : i32 {
      %mul3A_73 = arith.constant 2 : i32
      %mul3A_74 = arith.muli %mul3A_73, %scan3A_71 : i32
      %add3A_75 = arith.constant 0 : i32
      %add3A_76 = arith.addi %mul3A_74, %add3A_75 : i32
      %mul3A_77 = arith.constant 128 : i32
      %mul3A_78 = arith.muli %add3A_76, %mul3A_77 : i32
      %dma_wait3A_79 = tpu.memref_slice %arg6[%mul3A_78] : memref<20224xi32, #tpu.memory_space<vmem>> -> memref<128xi32, #tpu.memory_space<vmem>>
      %dma_wait3A_80 = arith.constant 0 : i32
      %dma_wait3A_81 = arith.constant 0 : i32
      %dma_wait3A_82 = tpu.memref_slice %arg4[%dma_wait3A_80, %dma_wait3A_81] : memref<20480x64xbf16, #tpu.memory_space<hbm>> -> memref<20480x64xbf16, #tpu.memory_space<hbm>>
      tpu.wait_indirect_dma semaphore(%arg11 : memref<!tpu.dma_semaphore, #tpu.memory_space<semaphore_mem>>) src(%dma_wait3A_82 : memref<20480x64xbf16, #tpu.memory_space<hbm>>) dst(%arg8 : memref<128x64xbf16, #tpu.memory_space<vmem>>)
      %dma_start3A_83 = arith.constant 0 : i32
      %dma_start3A_84 = tpu.memref_slice %arg7[%add3A_76, %dma_start3A_83] : memref<158x128xi32, #tpu.memory_space<vmem>> -> memref<1x128xi32, #tpu.memory_space<vmem>>
      %dma_start3A_85 = tpu.memref_squeeze %dma_start3A_84 : memref<1x128xi32, #tpu.memory_space<vmem>> -> memref<128xi32, #tpu.memory_space<vmem>>
      %dma_start3A_86 = arith.constant 0 : i32
      %dma_start3A_87 = arith.constant 0 : i32
      %dma_start3A_88 = tpu.memref_slice %arg10[%dma_start3A_86, %dma_start3A_87] : memref<10240x64xbf16, #tpu.memory_space<vmem_shared>> -> memref<10240x64xbf16, #tpu.memory_space<vmem_shared>>
      tpu.enqueue_indirect_dma source(%arg8 : memref<128x64xbf16, #tpu.memory_space<vmem>>) target(%dma_start3A_88 : memref<10240x64xbf16, #tpu.memory_space<vmem_shared>>) offsets(%dma_start3A_85 : memref<128xi32, #tpu.memory_space<vmem>>) semaphore(%arg13 : memref<!tpu.dma_semaphore, #tpu.memory_space<semaphore_mem>>) {add = true}
      %gt3A = arith.constant 0 : i32
      %gt3A_89 = arith.cmpi sgt, %add3A_76, %gt3A : i32
      %convert_element_type3A = arith.extui %gt3A_89 : i1 to i32
      %cond3A = arith.constant 0 : i32
      %cond3A_90 = arith.cmpi ne, %convert_element_type3A, %cond3A : i32
      scf.if %cond3A_90 {
        %sub3A_129 = arith.constant 1 : i32
        %sub3A_130 = arith.subi %add3A_76, %sub3A_129 : i32
        %dma_wait3A_131 = arith.constant 0 : i32
        %dma_wait3A_132 = tpu.memref_slice %arg7[%sub3A_130, %dma_wait3A_131] : memref<158x128xi32, #tpu.memory_space<vmem>> -> memref<1x128xi32, #tpu.memory_space<vmem>>
        %dma_wait3A_133 = tpu.memref_squeeze %dma_wait3A_132 : memref<1x128xi32, #tpu.memory_space<vmem>> -> memref<128xi32, #tpu.memory_space<vmem>>
        %dma_wait3A_134 = arith.constant 0 : i32
        %dma_wait3A_135 = arith.constant 0 : i32
        %dma_wait3A_136 = tpu.memref_slice %arg10[%dma_wait3A_134, %dma_wait3A_135] : memref<10240x64xbf16, #tpu.memory_space<vmem_shared>> -> memref<10240x64xbf16, #tpu.memory_space<vmem_shared>>
        tpu.wait_indirect_dma semaphore(%arg14 : memref<!tpu.dma_semaphore, #tpu.memory_space<semaphore_mem>>) src(%arg9 : memref<128x64xbf16, #tpu.memory_space<vmem>>) dst(%dma_wait3A_136 : memref<10240x64xbf16, #tpu.memory_space<vmem_shared>>)
      } else {
      }
      %add3A_91 = arith.constant 2 : i32
      %add3A_92 = arith.addi %add3A_76, %add3A_91 : i32
      %sub3A = arith.constant 1 : i32
      %sub3A_93 = arith.subi %add3A_92, %sub3A : i32
      %lt3A = arith.constant 158 : i32
      %lt3A_94 = arith.cmpi slt, %sub3A_93, %lt3A : i32
      %convert_element_type3A_95 = arith.extui %lt3A_94 : i1 to i32
      %cond3A_96 = arith.constant 0 : i32
      %cond3A_97 = arith.cmpi ne, %convert_element_type3A_95, %cond3A_96 : i32
      scf.if %cond3A_97 {
        %add3A_129 = arith.constant 2 : i32
        %add3A_130 = arith.addi %add3A_76, %add3A_129 : i32
        %sub3A_131 = arith.constant 1 : i32
        %sub3A_132 = arith.subi %add3A_130, %sub3A_131 : i32
        %mul3A_133 = arith.constant 128 : i32
        %mul3A_134 = arith.muli %sub3A_132, %mul3A_133 : i32
        %dma_start3A_135 = tpu.memref_slice %arg6[%mul3A_134] : memref<20224xi32, #tpu.memory_space<vmem>> -> memref<128xi32, #tpu.memory_space<vmem>>
        %dma_start3A_136 = arith.constant 0 : i32
        %dma_start3A_137 = arith.constant 0 : i32
        %dma_start3A_138 = tpu.memref_slice %arg4[%dma_start3A_136, %dma_start3A_137] : memref<20480x64xbf16, #tpu.memory_space<hbm>> -> memref<20480x64xbf16, #tpu.memory_space<hbm>>
        tpu.enqueue_indirect_dma source(%dma_start3A_138 : memref<20480x64xbf16, #tpu.memory_space<hbm>>) target(%arg9 : memref<128x64xbf16, #tpu.memory_space<vmem>>) offsets(%dma_start3A_135 : memref<128xi32, #tpu.memory_space<vmem>>) semaphore(%arg12 : memref<!tpu.dma_semaphore, #tpu.memory_space<semaphore_mem>>)
      } else {
      }
      %mul3A_98 = arith.constant 2 : i32
      %mul3A_99 = arith.muli %mul3A_98, %scan3A_71 : i32
      %add3A_100 = arith.constant 1 : i32
      %add3A_101 = arith.addi %mul3A_99, %add3A_100 : i32
      %mul3A_102 = arith.constant 128 : i32
      %mul3A_103 = arith.muli %add3A_101, %mul3A_102 : i32
      %dma_wait3A_104 = tpu.memref_slice %arg6[%mul3A_103] : memref<20224xi32, #tpu.memory_space<vmem>> -> memref<128xi32, #tpu.memory_space<vmem>>
      %dma_wait3A_105 = arith.constant 0 : i32
      %dma_wait3A_106 = arith.constant 0 : i32
      %dma_wait3A_107 = tpu.memref_slice %arg4[%dma_wait3A_105, %dma_wait3A_106] : memref<20480x64xbf16, #tpu.memory_space<hbm>> -> memref<20480x64xbf16, #tpu.memory_space<hbm>>
      tpu.wait_indirect_dma semaphore(%arg12 : memref<!tpu.dma_semaphore, #tpu.memory_space<semaphore_mem>>) src(%dma_wait3A_107 : memref<20480x64xbf16, #tpu.memory_space<hbm>>) dst(%arg9 : memref<128x64xbf16, #tpu.memory_space<vmem>>)
      %dma_start3A_108 = arith.constant 0 : i32
      %dma_start3A_109 = tpu.memref_slice %arg7[%add3A_101, %dma_start3A_108] : memref<158x128xi32, #tpu.memory_space<vmem>> -> memref<1x128xi32, #tpu.memory_space<vmem>>
      %dma_start3A_110 = tpu.memref_squeeze %dma_start3A_109 : memref<1x128xi32, #tpu.memory_space<vmem>> -> memref<128xi32, #tpu.memory_space<vmem>>
      %dma_start3A_111 = arith.constant 0 : i32
      %dma_start3A_112 = arith.constant 0 : i32
      %dma_start3A_113 = tpu.memref_slice %arg10[%dma_start3A_111, %dma_start3A_112] : memref<10240x64xbf16, #tpu.memory_space<vmem_shared>> -> memref<10240x64xbf16, #tpu.memory_space<vmem_shared>>
      tpu.enqueue_indirect_dma source(%arg9 : memref<128x64xbf16, #tpu.memory_space<vmem>>) target(%dma_start3A_113 : memref<10240x64xbf16, #tpu.memory_space<vmem_shared>>) offsets(%dma_start3A_110 : memref<128xi32, #tpu.memory_space<vmem>>) semaphore(%arg14 : memref<!tpu.dma_semaphore, #tpu.memory_space<semaphore_mem>>) {add = true}
      %gt3A_114 = arith.constant 0 : i32
      %gt3A_115 = arith.cmpi sgt, %add3A_101, %gt3A_114 : i32
      %convert_element_type3A_116 = arith.extui %gt3A_115 : i1 to i32
      %cond3A_117 = arith.constant 0 : i32
      %cond3A_118 = arith.cmpi ne, %convert_element_type3A_116, %cond3A_117 : i32
      scf.if %cond3A_118 {
        %sub3A_129 = arith.constant 1 : i32
        %sub3A_130 = arith.subi %add3A_101, %sub3A_129 : i32
        %dma_wait3A_131 = arith.constant 0 : i32
        %dma_wait3A_132 = tpu.memref_slice %arg7[%sub3A_130, %dma_wait3A_131] : memref<158x128xi32, #tpu.memory_space<vmem>> -> memref<1x128xi32, #tpu.memory_space<vmem>>
        %dma_wait3A_133 = tpu.memref_squeeze %dma_wait3A_132 : memref<1x128xi32, #tpu.memory_space<vmem>> -> memref<128xi32, #tpu.memory_space<vmem>>
        %dma_wait3A_134 = arith.constant 0 : i32
        %dma_wait3A_135 = arith.constant 0 : i32
        %dma_wait3A_136 = tpu.memref_slice %arg10[%dma_wait3A_134, %dma_wait3A_135] : memref<10240x64xbf16, #tpu.memory_space<vmem_shared>> -> memref<10240x64xbf16, #tpu.memory_space<vmem_shared>>
        tpu.wait_indirect_dma semaphore(%arg13 : memref<!tpu.dma_semaphore, #tpu.memory_space<semaphore_mem>>) src(%arg8 : memref<128x64xbf16, #tpu.memory_space<vmem>>) dst(%dma_wait3A_136 : memref<10240x64xbf16, #tpu.memory_space<vmem_shared>>)
      } else {
      }
      %add3A_119 = arith.constant 2 : i32
      %add3A_120 = arith.addi %add3A_101, %add3A_119 : i32
      %sub3A_121 = arith.constant 1 : i32
      %sub3A_122 = arith.subi %add3A_120, %sub3A_121 : i32
      %lt3A_123 = arith.constant 158 : i32
      %lt3A_124 = arith.cmpi slt, %sub3A_122, %lt3A_123 : i32
      %convert_element_type3A_125 = arith.extui %lt3A_124 : i1 to i32
      %cond3A_126 = arith.constant 0 : i32
      %cond3A_127 = arith.cmpi ne, %convert_element_type3A_125, %cond3A_126 : i32
      scf.if %cond3A_127 {
        %add3A_129 = arith.constant 2 : i32
        %add3A_130 = arith.addi %add3A_101, %add3A_129 : i32
        %sub3A_131 = arith.constant 1 : i32
        %sub3A_132 = arith.subi %add3A_130, %sub3A_131 : i32
        %mul3A_133 = arith.constant 128 : i32
        %mul3A_134 = arith.muli %sub3A_132, %mul3A_133 : i32
        %dma_start3A_135 = tpu.memref_slice %arg6[%mul3A_134] : memref<20224xi32, #tpu.memory_space<vmem>> -> memref<128xi32, #tpu.memory_space<vmem>>
        %dma_start3A_136 = arith.constant 0 : i32
        %dma_start3A_137 = arith.constant 0 : i32
        %dma_start3A_138 = tpu.memref_slice %arg4[%dma_start3A_136, %dma_start3A_137] : memref<20480x64xbf16, #tpu.memory_space<hbm>> -> memref<20480x64xbf16, #tpu.memory_space<hbm>>
        tpu.enqueue_indirect_dma source(%dma_start3A_138 : memref<20480x64xbf16, #tpu.memory_space<hbm>>) target(%arg8 : memref<128x64xbf16, #tpu.memory_space<vmem>>) offsets(%dma_start3A_135 : memref<128xi32, #tpu.memory_space<vmem>>) semaphore(%arg11 : memref<!tpu.dma_semaphore, #tpu.memory_space<semaphore_mem>>)
      } else {
      }
      %scan3A_128 = arith.constant 0 : i32
      scf.yield %scan3A_128 : i32
    }
    %scan3A_43 = arith.constant 79 : i32
    %dma_wait3A = arith.constant 157 : i32
    %dma_wait3A_44 = arith.constant 0 : i32
    %dma_wait3A_45 = tpu.memref_slice %arg7[%dma_wait3A, %dma_wait3A_44] : memref<158x128xi32, #tpu.memory_space<vmem>> -> memref<1x128xi32, #tpu.memory_space<vmem>>
    %dma_wait3A_46 = tpu.memref_squeeze %dma_wait3A_45 : memref<1x128xi32, #tpu.memory_space<vmem>> -> memref<128xi32, #tpu.memory_space<vmem>>
    %dma_wait3A_47 = arith.constant 0 : i32
    %dma_wait3A_48 = arith.constant 0 : i32
    %dma_wait3A_49 = tpu.memref_slice %arg10[%dma_wait3A_47, %dma_wait3A_48] : memref<10240x64xbf16, #tpu.memory_space<vmem_shared>> -> memref<10240x64xbf16, #tpu.memory_space<vmem_shared>>
    tpu.wait_indirect_dma semaphore(%arg14 : memref<!tpu.dma_semaphore, #tpu.memory_space<semaphore_mem>>) src(%arg9 : memref<128x64xbf16, #tpu.memory_space<vmem>>) dst(%dma_wait3A_49 : memref<10240x64xbf16, #tpu.memory_space<vmem_shared>>)
    %barrier3A_50 = arith.constant 0 : index
    tpu.barrier barrier_id(%barrier3A_50)
    %mul3A_51 = arith.constant 640 : i32
    %mul3A_52 = arith.muli %arg1, %mul3A_51 : i32
    %add3A_53 = arith.constant 0 : i32
    %add3A_54 = arith.addi %mul3A_52, %add3A_53 : i32
    "tpu.region"() ({
      %run_scoped3A = tpu.sem_alloc : memref<!tpu.dma_semaphore, #tpu.memory_space<semaphore_mem>>
      %dma_start3A_71 = arith.constant 0 : i32
      %dma_start3A_72 = tpu.memref_slice %arg5[%arg0, %add3A_54, %dma_start3A_71] : memref<2x10240x64xbf16, #tpu.memory_space<hbm>> -> memref<1x128x64xbf16, #tpu.memory_space<hbm>>
      %dma_start3A_73 = tpu.memref_squeeze %dma_start3A_72 : memref<1x128x64xbf16, #tpu.memory_space<hbm>> -> memref<128x64xbf16, #tpu.memory_space<hbm>>
      %dma_start3A_74 = arith.constant 0 : i32
      %dma_start3A_75 = tpu.memref_slice %arg10[%add3A_54, %dma_start3A_74] : memref<10240x64xbf16, #tpu.memory_space<vmem_shared>> -> memref<128x64xbf16, #tpu.memory_space<vmem_shared>>
      tpu.enqueue_dma source(%dma_start3A_75 : memref<128x64xbf16, #tpu.memory_space<vmem_shared>>) target(%dma_start3A_73 : memref<128x64xbf16, #tpu.memory_space<hbm>>) target_semaphore(%run_scoped3A : memref<!tpu.dma_semaphore, #tpu.memory_space<semaphore_mem>>)
      %dma_wait3A_76 = arith.constant 0 : i32
      %dma_wait3A_77 = tpu.memref_slice %arg5[%arg0, %add3A_54, %dma_wait3A_76] : memref<2x10240x64xbf16, #tpu.memory_space<hbm>> -> memref<1x128x64xbf16, #tpu.memory_space<hbm>>
      %dma_wait3A_78 = tpu.memref_squeeze %dma_wait3A_77 : memref<1x128x64xbf16, #tpu.memory_space<hbm>> -> memref<128x64xbf16, #tpu.memory_space<hbm>>
      %dma_wait3A_79 = arith.constant 0 : i32
      %dma_wait3A_80 = tpu.memref_slice %arg10[%add3A_54, %dma_wait3A_79] : memref<10240x64xbf16, #tpu.memory_space<vmem_shared>> -> memref<128x64xbf16, #tpu.memory_space<vmem_shared>>
      tpu.wait_dma2 semaphore(%run_scoped3A : memref<!tpu.dma_semaphore, #tpu.memory_space<semaphore_mem>>) src(%dma_wait3A_80 : memref<128x64xbf16, #tpu.memory_space<vmem_shared>>) dst(%dma_wait3A_78 : memref<128x64xbf16, #tpu.memory_space<hbm>>)
      tpu.yield
    }) : () -> ()
    %mul3A_55 = arith.constant 640 : i32
    %mul3A_56 = arith.muli %arg1, %mul3A_55 : i32
    %add3A_57 = arith.constant 128 : i32
    %add3A_58 = arith.addi %mul3A_56, %add3A_57 : i32
    "tpu.region"() ({
      %run_scoped3A = tpu.sem_alloc : memref<!tpu.dma_semaphore, #tpu.memory_space<semaphore_mem>>
      %dma_start3A_71 = arith.constant 0 : i32
      %dma_start3A_72 = tpu.memref_slice %arg5[%arg0, %add3A_58, %dma_start3A_71] : memref<2x10240x64xbf16, #tpu.memory_space<hbm>> -> memref<1x128x64xbf16, #tpu.memory_space<hbm>>
      %dma_start3A_73 = tpu.memref_squeeze %dma_start3A_72 : memref<1x128x64xbf16, #tpu.memory_space<hbm>> -> memref<128x64xbf16, #tpu.memory_space<hbm>>
      %dma_start3A_74 = arith.constant 0 : i32
      %dma_start3A_75 = tpu.memref_slice %arg10[%add3A_58, %dma_start3A_74] : memref<10240x64xbf16, #tpu.memory_space<vmem_shared>> -> memref<128x64xbf16, #tpu.memory_space<vmem_shared>>
      tpu.enqueue_dma source(%dma_start3A_75 : memref<128x64xbf16, #tpu.memory_space<vmem_shared>>) target(%dma_start3A_73 : memref<128x64xbf16, #tpu.memory_space<hbm>>) target_semaphore(%run_scoped3A : memref<!tpu.dma_semaphore, #tpu.memory_space<semaphore_mem>>)
      %dma_wait3A_76 = arith.constant 0 : i32
      %dma_wait3A_77 = tpu.memref_slice %arg5[%arg0, %add3A_58, %dma_wait3A_76] : memref<2x10240x64xbf16, #tpu.memory_space<hbm>> -> memref<1x128x64xbf16, #tpu.memory_space<hbm>>
      %dma_wait3A_78 = tpu.memref_squeeze %dma_wait3A_77 : memref<1x128x64xbf16, #tpu.memory_space<hbm>> -> memref<128x64xbf16, #tpu.memory_space<hbm>>
      %dma_wait3A_79 = arith.constant 0 : i32
      %dma_wait3A_80 = tpu.memref_slice %arg10[%add3A_58, %dma_wait3A_79] : memref<10240x64xbf16, #tpu.memory_space<vmem_shared>> -> memref<128x64xbf16, #tpu.memory_space<vmem_shared>>
      tpu.wait_dma2 semaphore(%run_scoped3A : memref<!tpu.dma_semaphore, #tpu.memory_space<semaphore_mem>>) src(%dma_wait3A_80 : memref<128x64xbf16, #tpu.memory_space<vmem_shared>>) dst(%dma_wait3A_78 : memref<128x64xbf16, #tpu.memory_space<hbm>>)
      tpu.yield
    }) : () -> ()
    %mul3A_59 = arith.constant 640 : i32
    %mul3A_60 = arith.muli %arg1, %mul3A_59 : i32
    %add3A_61 = arith.constant 256 : i32
    %add3A_62 = arith.addi %mul3A_60, %add3A_61 : i32
    "tpu.region"() ({
      %run_scoped3A = tpu.sem_alloc : memref<!tpu.dma_semaphore, #tpu.memory_space<semaphore_mem>>
      %dma_start3A_71 = arith.constant 0 : i32
      %dma_start3A_72 = tpu.memref_slice %arg5[%arg0, %add3A_62, %dma_start3A_71] : memref<2x10240x64xbf16, #tpu.memory_space<hbm>> -> memref<1x128x64xbf16, #tpu.memory_space<hbm>>
      %dma_start3A_73 = tpu.memref_squeeze %dma_start3A_72 : memref<1x128x64xbf16, #tpu.memory_space<hbm>> -> memref<128x64xbf16, #tpu.memory_space<hbm>>
      %dma_start3A_74 = arith.constant 0 : i32
      %dma_start3A_75 = tpu.memref_slice %arg10[%add3A_62, %dma_start3A_74] : memref<10240x64xbf16, #tpu.memory_space<vmem_shared>> -> memref<128x64xbf16, #tpu.memory_space<vmem_shared>>
      tpu.enqueue_dma source(%dma_start3A_75 : memref<128x64xbf16, #tpu.memory_space<vmem_shared>>) target(%dma_start3A_73 : memref<128x64xbf16, #tpu.memory_space<hbm>>) target_semaphore(%run_scoped3A : memref<!tpu.dma_semaphore, #tpu.memory_space<semaphore_mem>>)
      %dma_wait3A_76 = arith.constant 0 : i32
      %dma_wait3A_77 = tpu.memref_slice %arg5[%arg0, %add3A_62, %dma_wait3A_76] : memref<2x10240x64xbf16, #tpu.memory_space<hbm>> -> memref<1x128x64xbf16, #tpu.memory_space<hbm>>
      %dma_wait3A_78 = tpu.memref_squeeze %dma_wait3A_77 : memref<1x128x64xbf16, #tpu.memory_space<hbm>> -> memref<128x64xbf16, #tpu.memory_space<hbm>>
      %dma_wait3A_79 = arith.constant 0 : i32
      %dma_wait3A_80 = tpu.memref_slice %arg10[%add3A_62, %dma_wait3A_79] : memref<10240x64xbf16, #tpu.memory_space<vmem_shared>> -> memref<128x64xbf16, #tpu.memory_space<vmem_shared>>
      tpu.wait_dma2 semaphore(%run_scoped3A : memref<!tpu.dma_semaphore, #tpu.memory_space<semaphore_mem>>) src(%dma_wait3A_80 : memref<128x64xbf16, #tpu.memory_space<vmem_shared>>) dst(%dma_wait3A_78 : memref<128x64xbf16, #tpu.memory_space<hbm>>)
      tpu.yield
    }) : () -> ()
    %mul3A_63 = arith.constant 640 : i32
    %mul3A_64 = arith.muli %arg1, %mul3A_63 : i32
    %add3A_65 = arith.constant 384 : i32
    %add3A_66 = arith.addi %mul3A_64, %add3A_65 : i32
    "tpu.region"() ({
      %run_scoped3A = tpu.sem_alloc : memref<!tpu.dma_semaphore, #tpu.memory_space<semaphore_mem>>
      %dma_start3A_71 = arith.constant 0 : i32
      %dma_start3A_72 = tpu.memref_slice %arg5[%arg0, %add3A_66, %dma_start3A_71] : memref<2x10240x64xbf16, #tpu.memory_space<hbm>> -> memref<1x128x64xbf16, #tpu.memory_space<hbm>>
      %dma_start3A_73 = tpu.memref_squeeze %dma_start3A_72 : memref<1x128x64xbf16, #tpu.memory_space<hbm>> -> memref<128x64xbf16, #tpu.memory_space<hbm>>
      %dma_start3A_74 = arith.constant 0 : i32
      %dma_start3A_75 = tpu.memref_slice %arg10[%add3A_66, %dma_start3A_74] : memref<10240x64xbf16, #tpu.memory_space<vmem_shared>> -> memref<128x64xbf16, #tpu.memory_space<vmem_shared>>
      tpu.enqueue_dma source(%dma_start3A_75 : memref<128x64xbf16, #tpu.memory_space<vmem_shared>>) target(%dma_start3A_73 : memref<128x64xbf16, #tpu.memory_space<hbm>>) target_semaphore(%run_scoped3A : memref<!tpu.dma_semaphore, #tpu.memory_space<semaphore_mem>>)
      %dma_wait3A_76 = arith.constant 0 : i32
      %dma_wait3A_77 = tpu.memref_slice %arg5[%arg0, %add3A_66, %dma_wait3A_76] : memref<2x10240x64xbf16, #tpu.memory_space<hbm>> -> memref<1x128x64xbf16, #tpu.memory_space<hbm>>
      %dma_wait3A_78 = tpu.memref_squeeze %dma_wait3A_77 : memref<1x128x64xbf16, #tpu.memory_space<hbm>> -> memref<128x64xbf16, #tpu.memory_space<hbm>>
      %dma_wait3A_79 = arith.constant 0 : i32
      %dma_wait3A_80 = tpu.memref_slice %arg10[%add3A_66, %dma_wait3A_79] : memref<10240x64xbf16, #tpu.memory_space<vmem_shared>> -> memref<128x64xbf16, #tpu.memory_space<vmem_shared>>
      tpu.wait_dma2 semaphore(%run_scoped3A : memref<!tpu.dma_semaphore, #tpu.memory_space<semaphore_mem>>) src(%dma_wait3A_80 : memref<128x64xbf16, #tpu.memory_space<vmem_shared>>) dst(%dma_wait3A_78 : memref<128x64xbf16, #tpu.memory_space<hbm>>)
      tpu.yield
    }) : () -> ()
    %mul3A_67 = arith.constant 640 : i32
    %mul3A_68 = arith.muli %arg1, %mul3A_67 : i32
    %add3A_69 = arith.constant 512 : i32
    %add3A_70 = arith.addi %mul3A_68, %add3A_69 : i32
    "tpu.region"() ({
      %run_scoped3A = tpu.sem_alloc : memref<!tpu.dma_semaphore, #tpu.memory_space<semaphore_mem>>
      %dma_start3A_71 = arith.constant 0 : i32
      %dma_start3A_72 = tpu.memref_slice %arg5[%arg0, %add3A_70, %dma_start3A_71] : memref<2x10240x64xbf16, #tpu.memory_space<hbm>> -> memref<1x128x64xbf16, #tpu.memory_space<hbm>>
      %dma_start3A_73 = tpu.memref_squeeze %dma_start3A_72 : memref<1x128x64xbf16, #tpu.memory_space<hbm>> -> memref<128x64xbf16, #tpu.memory_space<hbm>>
      %dma_start3A_74 = arith.constant 0 : i32
      %dma_start3A_75 = tpu.memref_slice %arg10[%add3A_70, %dma_start3A_74] : memref<10240x64xbf16, #tpu.memory_space<vmem_shared>> -> memref<128x64xbf16, #tpu.memory_space<vmem_shared>>
      tpu.enqueue_dma source(%dma_start3A_75 : memref<128x64xbf16, #tpu.memory_space<vmem_shared>>) target(%dma_start3A_73 : memref<128x64xbf16, #tpu.memory_space<hbm>>) target_semaphore(%run_scoped3A : memref<!tpu.dma_semaphore, #tpu.memory_space<semaphore_mem>>)
      %dma_wait3A_76 = arith.constant 0 : i32
      %dma_wait3A_77 = tpu.memref_slice %arg5[%arg0, %add3A_70, %dma_wait3A_76] : memref<2x10240x64xbf16, #tpu.memory_space<hbm>> -> memref<1x128x64xbf16, #tpu.memory_space<hbm>>
      %dma_wait3A_78 = tpu.memref_squeeze %dma_wait3A_77 : memref<1x128x64xbf16, #tpu.memory_space<hbm>> -> memref<128x64xbf16, #tpu.memory_space<hbm>>
      %dma_wait3A_79 = arith.constant 0 : i32
      %dma_wait3A_80 = tpu.memref_slice %arg10[%add3A_70, %dma_wait3A_79] : memref<10240x64xbf16, #tpu.memory_space<vmem_shared>> -> memref<128x64xbf16, #tpu.memory_space<vmem_shared>>
      tpu.wait_dma2 semaphore(%run_scoped3A : memref<!tpu.dma_semaphore, #tpu.memory_space<semaphore_mem>>) src(%dma_wait3A_80 : memref<128x64xbf16, #tpu.memory_space<vmem_shared>>) dst(%dma_wait3A_78 : memref<128x64xbf16, #tpu.memory_space<hbm>>)
      tpu.yield
    }) : () -> ()
    return
  }
}

module attributes {stable_mosaic.version = 14 : i64} {
  func.func @_dense_body(%arg0: i32, %arg1: memref<400x2xf32, #tpu.memory_space<vmem>>, %arg2: memref<400x128xf32, #tpu.memory_space<vmem>>, %arg3: memref<128x128xf32, #tpu.memory_space<vmem>>, %arg4: memref<128x128xf32, #tpu.memory_space<vmem>>, %arg5: memref<1x128xf32, #tpu.memory_space<vmem>>, %arg6: memref<1x128xf32, #tpu.memory_space<vmem>>, %arg7: memref<2x400x64xbf16, #tpu.memory_space<vmem>>, %arg8: memref<400x128xf32, #tpu.memory_space<vmem>>) attributes {dimension_semantics = [#tpu.dimension_semantics<arbitrary>], iteration_bounds = array<i64: 25>, scalar_prefetch = 0 : i64, scratch_operands = 0 : i64, tpu.core_type = #tpu.core_type<tc>, window_params = [{transform_indices = @transform_0, window_bounds = array<i64: 400, 2>}, {transform_indices = @transform_1, window_bounds = array<i64: 400, 128>}, {pipeline_mode = #tpu.pipeline_mode<synchronous>, transform_indices = @transform_2, window_bounds = array<i64: 128, 128>}, {pipeline_mode = #tpu.pipeline_mode<synchronous>, transform_indices = @transform_3, window_bounds = array<i64: 128, 128>}, {pipeline_mode = #tpu.pipeline_mode<synchronous>, transform_indices = @transform_4, window_bounds = array<i64: 1, 128>}, {pipeline_mode = #tpu.pipeline_mode<synchronous>, transform_indices = @transform_5, window_bounds = array<i64: 1, 128>}, {transform_indices = @transform_6, window_bounds = array<i64: 2, 400, 64>}, {transform_indices = @transform_7, window_bounds = array<i64: 400, 128>}]} {
    %get3A = arith.constant 0 : index
    %get3A_0 = arith.constant 0 : index
    %get3A_1 = vector.load %arg1[%get3A, %get3A_0] : memref<400x2xf32, #tpu.memory_space<vmem>>, vector<400x1xf32>
    %get3A_2 = arith.constant 0 : index
    %get3A_3 = arith.constant 1 : index
    %get3A_4 = vector.load %arg1[%get3A_2, %get3A_3] : memref<400x2xf32, #tpu.memory_space<vmem>>, vector<400x1xf32>
    %add3A = arith.addf %get3A_1, %get3A_4 : vector<400x1xf32>
    %add3A_5 = arith.constant 2.000000e+00 : f32
    %add3A_6 = vector.broadcast %add3A_5 : f32 to vector<400x1xf32>
    %add3A_7 = arith.addf %add3A, %add3A_6 : vector<400x1xf32>
    %rsqrt3A = math.rsqrt %add3A_7 : vector<400x1xf32>
    %get3A_8 = arith.constant 0 : index
    %get3A_9 = arith.constant 0 : index
    %get3A_10 = vector.load %arg2[%get3A_8, %get3A_9] : memref<400x128xf32, #tpu.memory_space<vmem>>, vector<400x128xf32>
    %get3A_11 = arith.constant 0 : index
    %get3A_12 = arith.constant 0 : index
    %get3A_13 = vector.load %arg3[%get3A_11, %get3A_12] : memref<128x128xf32, #tpu.memory_space<vmem>>, vector<128x128xf32>
    %dot_general3A = arith.constant dense<0.000000e+00> : vector<400x128xf32>
    %dot_general3A_14 = tpu.matmul %get3A_10, %get3A_13, %dot_general3A {dimension_numbers = #tpu.dot_dimension_numbers<[1], [0], [0], [1], [0, 0, 1, 1], [], []>, transpose_lhs_hint = false} : vector<400x128xf32>, vector<128x128xf32>, vector<400x128xf32> -> vector<400x128xf32>
    %get3A_15 = arith.constant 0 : index
    %get3A_16 = arith.constant 0 : index
    %get3A_17 = vector.load %arg4[%get3A_15, %get3A_16] : memref<128x128xf32, #tpu.memory_space<vmem>>, vector<128x128xf32>
    %dot_general3A_18 = arith.constant dense<0.000000e+00> : vector<400x128xf32>
    %dot_general3A_19 = tpu.matmul %get3A_10, %get3A_17, %dot_general3A_18 {dimension_numbers = #tpu.dot_dimension_numbers<[1], [0], [0], [1], [0, 0, 1, 1], [], []>, transpose_lhs_hint = false} : vector<400x128xf32>, vector<128x128xf32>, vector<400x128xf32> -> vector<400x128xf32>
    %mul3A = vector.broadcast %rsqrt3A : vector<400x1xf32> to vector<400x128xf32>
    %mul3A_20 = arith.mulf %mul3A, %dot_general3A_14 : vector<400x128xf32>
    %convert_element_type3A = arith.truncf %mul3A_20 : vector<400x128xf32> to vector<400x128xbf16>
    %slice3A = vector.extract_strided_slice %convert_element_type3A {offsets = [0, 0], sizes = [400, 64], strides = [1, 1]} : vector<400x128xbf16> to vector<400x64xbf16>
    %swap3A = arith.constant 0 : index
    %swap3A_21 = arith.constant 0 : index
    %swap3A_22 = arith.constant 0 : index
    %swap3A_23 = vector.load %arg7[%swap3A, %swap3A_21, %swap3A_22] : memref<2x400x64xbf16, #tpu.memory_space<vmem>>, vector<1x400x64xbf16>
    %swap3A_24 = vector.shape_cast %swap3A_23 : vector<1x400x64xbf16> to vector<400x64xbf16>
    %swap3A_25 = vector.shape_cast %slice3A : vector<400x64xbf16> to vector<1x400x64xbf16>
    tpu.vector_store %arg7[%swap3A, %swap3A_21, %swap3A_22], %swap3A_25 {strides = array<i32>} : memref<2x400x64xbf16, #tpu.memory_space<vmem>>, vector<1x400x64xbf16>,
    %slice3A_26 = vector.extract_strided_slice %convert_element_type3A {offsets = [0, 64], sizes = [400, 64], strides = [1, 1]} : vector<400x128xbf16> to vector<400x64xbf16>
    %swap3A_27 = arith.constant 1 : index
    %swap3A_28 = arith.constant 0 : index
    %swap3A_29 = arith.constant 0 : index
    %swap3A_30 = vector.load %arg7[%swap3A_27, %swap3A_28, %swap3A_29] : memref<2x400x64xbf16, #tpu.memory_space<vmem>>, vector<1x400x64xbf16>
    %swap3A_31 = vector.shape_cast %swap3A_30 : vector<1x400x64xbf16> to vector<400x64xbf16>
    %swap3A_32 = vector.shape_cast %slice3A_26 : vector<400x64xbf16> to vector<1x400x64xbf16>
    tpu.vector_store %arg7[%swap3A_27, %swap3A_28, %swap3A_29], %swap3A_32 {strides = array<i32>} : memref<2x400x64xbf16, #tpu.memory_space<vmem>>, vector<1x400x64xbf16>,
    %get3A_33 = arith.constant 0 : index
    %get3A_34 = arith.constant 0 : index
    %get3A_35 = vector.load %arg5[%get3A_33, %get3A_34] : memref<1x128xf32, #tpu.memory_space<vmem>>, vector<1x128xf32>
    %add3A_36 = vector.broadcast %get3A_35 : vector<1x128xf32> to vector<400x128xf32>
    %add3A_37 = arith.addf %dot_general3A_19, %add3A_36 : vector<400x128xf32>
    %get3A_38 = arith.constant 0 : index
    %get3A_39 = arith.constant 0 : index
    %get3A_40 = vector.load %arg6[%get3A_38, %get3A_39] : memref<1x128xf32, #tpu.memory_space<vmem>>, vector<1x128xf32>
    %add3A_41 = vector.broadcast %get3A_40 : vector<1x128xf32> to vector<400x128xf32>
    %add3A_42 = arith.addf %add3A_37, %add3A_41 : vector<400x128xf32>
    %mul3A_43 = arith.constant 2.000000e+00 : f32
    %mul3A_44 = vector.broadcast %mul3A_43 : f32 to vector<400x1xf32>
    %mul3A_45 = arith.mulf %mul3A_44, %rsqrt3A : vector<400x1xf32>
    %mul3A_46 = arith.mulf %mul3A_45, %rsqrt3A : vector<400x1xf32>
    %mul3A_47 = vector.broadcast %mul3A_46 : vector<400x1xf32> to vector<400x128xf32>
    %mul3A_48 = arith.mulf %mul3A_47, %dot_general3A_14 : vector<400x128xf32>
    %add3A_49 = arith.addf %add3A_42, %mul3A_48 : vector<400x128xf32>
    %swap3A_50 = arith.constant 0 : index
    %swap3A_51 = arith.constant 0 : index
    %swap3A_52 = vector.load %arg8[%swap3A_50, %swap3A_51] : memref<400x128xf32, #tpu.memory_space<vmem>>, vector<400x128xf32>
    tpu.vector_store %arg8[%swap3A_50, %swap3A_51], %add3A_49 {strides = array<i32>} : memref<400x128xf32, #tpu.memory_space<vmem>>, vector<400x128xf32>,
    return
  }
  func.func @transform_0(%arg0: i32) -> (i32, i32) {
    %c0_i32 = arith.constant 0 : i32
    %c0_i32_0 = arith.constant 0 : i32
    return %arg0, %c0_i32 : i32, i32
  }
  func.func @transform_1(%arg0: i32) -> (i32, i32) {
    %c0_i32 = arith.constant 0 : i32
    %c0_i32_0 = arith.constant 0 : i32
    return %arg0, %c0_i32 : i32, i32
  }
  func.func @transform_2(%arg0: i32) -> (i32, i32) {
    %c0_i32 = arith.constant 0 : i32
    %c0_i32_0 = arith.constant 0 : i32
    %c0_i32_1 = arith.constant 0 : i32
    return %c0_i32, %c0_i32_0 : i32, i32
  }
  func.func @transform_3(%arg0: i32) -> (i32, i32) {
    %c0_i32 = arith.constant 0 : i32
    %c0_i32_0 = arith.constant 0 : i32
    %c0_i32_1 = arith.constant 0 : i32
    return %c0_i32, %c0_i32_0 : i32, i32
  }
  func.func @transform_4(%arg0: i32) -> (i32, i32) {
    %c0_i32 = arith.constant 0 : i32
    %c0_i32_0 = arith.constant 0 : i32
    %c0_i32_1 = arith.constant 0 : i32
    return %c0_i32, %c0_i32_0 : i32, i32
  }
  func.func @transform_5(%arg0: i32) -> (i32, i32) {
    %c0_i32 = arith.constant 0 : i32
    %c0_i32_0 = arith.constant 0 : i32
    %c0_i32_1 = arith.constant 0 : i32
    return %c0_i32, %c0_i32_0 : i32, i32
  }
  func.func @transform_6(%arg0: i32) -> (i32, i32, i32) {
    %c0_i32 = arith.constant 0 : i32
    %c0_i32_0 = arith.constant 0 : i32
    %c0_i32_1 = arith.constant 0 : i32
    return %c0_i32, %arg0, %c0_i32_0 : i32, i32, i32
  }
  func.func @transform_7(%arg0: i32) -> (i32, i32) {
    %c0_i32 = arith.constant 0 : i32
    %c0_i32_0 = arith.constant 0 : i32
    return %arg0, %c0_i32 : i32, i32
  }
}

module attributes {stable_mosaic.version = 14 : i64} {
  func.func @_final_body(%arg0: i32, %arg1: memref<400x2xf32, #tpu.memory_space<vmem>>, %arg2: memref<2x400x64xbf16, #tpu.memory_space<vmem>>, %arg3: memref<400x128xf32, #tpu.memory_space<vmem>>, %arg4: memref<400x128xf32, #tpu.memory_space<vmem>>) attributes {dimension_semantics = [#tpu.dimension_semantics<arbitrary>], iteration_bounds = array<i64: 25>, scalar_prefetch = 0 : i64, scratch_operands = 0 : i64, tpu.core_type = #tpu.core_type<tc>, window_params = [{transform_indices = @transform_0, window_bounds = array<i64: 400, 2>}, {transform_indices = @transform_1, window_bounds = array<i64: 2, 400, 64>}, {transform_indices = @transform_2, window_bounds = array<i64: 400, 128>}, {transform_indices = @transform_3, window_bounds = array<i64: 400, 128>}]} {
    %get3A = arith.constant 0 : index
    %get3A_0 = arith.constant 0 : index
    %get3A_1 = vector.load %arg1[%get3A, %get3A_0] : memref<400x2xf32, #tpu.memory_space<vmem>>, vector<400x1xf32>
    %get3A_2 = arith.constant 0 : index
    %get3A_3 = arith.constant 1 : index
    %get3A_4 = vector.load %arg1[%get3A_2, %get3A_3] : memref<400x2xf32, #tpu.memory_space<vmem>>, vector<400x1xf32>
    %add3A = arith.addf %get3A_1, %get3A_4 : vector<400x1xf32>
    %add3A_5 = arith.constant 2.000000e+00 : f32
    %add3A_6 = vector.broadcast %add3A_5 : f32 to vector<400x1xf32>
    %add3A_7 = arith.addf %add3A, %add3A_6 : vector<400x1xf32>
    %rsqrt3A = math.rsqrt %add3A_7 : vector<400x1xf32>
    %get3A_8 = arith.constant 0 : index
    %get3A_9 = arith.constant 0 : index
    %get3A_10 = arith.constant 0 : index
    %get3A_11 = vector.load %arg2[%get3A_8, %get3A_9, %get3A_10] : memref<2x400x64xbf16, #tpu.memory_space<vmem>>, vector<1x400x64xbf16>
    %get3A_12 = vector.shape_cast %get3A_11 : vector<1x400x64xbf16> to vector<400x64xbf16>
    %get3A_13 = arith.constant 1 : index
    %get3A_14 = arith.constant 0 : index
    %get3A_15 = arith.constant 0 : index
    %get3A_16 = vector.load %arg2[%get3A_13, %get3A_14, %get3A_15] : memref<2x400x64xbf16, #tpu.memory_space<vmem>>, vector<1x400x64xbf16>
    %get3A_17 = vector.shape_cast %get3A_16 : vector<1x400x64xbf16> to vector<400x64xbf16>
    %concatenate3A = tpu.concatenate %get3A_12, %get3A_17 in 1 : vector<400x64xbf16>, vector<400x64xbf16> -> vector<400x128xbf16>
    %convert_element_type3A = arith.extf %concatenate3A : vector<400x128xbf16> to vector<400x128xf32>
    %mul3A = vector.broadcast %rsqrt3A : vector<400x1xf32> to vector<400x128xf32>
    %mul3A_18 = arith.mulf %mul3A, %convert_element_type3A : vector<400x128xf32>
    %get3A_19 = arith.constant 0 : index
    %get3A_20 = arith.constant 0 : index
    %get3A_21 = vector.load %arg3[%get3A_19, %get3A_20] : memref<400x128xf32, #tpu.memory_space<vmem>>, vector<400x128xf32>
    %add3A_22 = arith.addf %mul3A_18, %get3A_21 : vector<400x128xf32>
    %gt3A = arith.constant 0.000000e+00 : f32
    %gt3A_23 = vector.broadcast %gt3A : f32 to vector<400x128xf32>
    %gt3A_24 = arith.cmpf ogt, %add3A_22, %gt3A_23 : vector<400x128xf32>
    %exp3A = math.exp %add3A_22 : vector<400x128xf32>
    %sub3A = arith.constant 1.000000e+00 : f32
    %sub3A_25 = vector.broadcast %sub3A : f32 to vector<400x128xf32>
    %sub3A_26 = arith.subf %exp3A, %sub3A_25 : vector<400x128xf32>
    %mul3A_27 = arith.constant 1.000000e-01 : f32
    %mul3A_28 = vector.broadcast %mul3A_27 : f32 to vector<400x128xf32>
    %mul3A_29 = arith.mulf %mul3A_28, %sub3A_26 : vector<400x128xf32>
    %select_n3A = arith.select %gt3A_24, %add3A_22, %mul3A_29 : vector<400x128xi1>, vector<400x128xf32>
    %swap3A = arith.constant 0 : index
    %swap3A_30 = arith.constant 0 : index
    %swap3A_31 = vector.load %arg4[%swap3A, %swap3A_30] : memref<400x128xf32, #tpu.memory_space<vmem>>, vector<400x128xf32>
    tpu.vector_store %arg4[%swap3A, %swap3A_30], %select_n3A {strides = array<i32>} : memref<400x128xf32, #tpu.memory_space<vmem>>, vector<400x128xf32>,
    return
  }
  func.func @transform_0(%arg0: i32) -> (i32, i32) {
    %c0_i32 = arith.constant 0 : i32
    %c0_i32_0 = arith.constant 0 : i32
    return %arg0, %c0_i32 : i32, i32
  }
  func.func @transform_1(%arg0: i32) -> (i32, i32, i32) {
    %c0_i32 = arith.constant 0 : i32
    %c0_i32_0 = arith.constant 0 : i32
    %c0_i32_1 = arith.constant 0 : i32
    return %c0_i32, %arg0, %c0_i32_0 : i32, i32, i32
  }
  func.func @transform_2(%arg0: i32) -> (i32, i32) {
    %c0_i32 = arith.constant 0 : i32
    %c0_i32_0 = arith.constant 0 : i32
    return %arg0, %c0_i32 : i32, i32
  }
  func.func @transform_3(%arg0: i32) -> (i32, i32) {
    %c0_i32 = arith.constant 0 : i32
    %c0_i32_0 = arith.constant 0 : i32
    return %arg0, %c0_i32 : i32, i32
  }
}

</mosaic_0001>

<sc_bundles>
// kernel: kernel.6.cloned.1.call-start
scs
__scs_entry_jumppad:
0x0: {  	(pc) =	sbr.rel $0x88, $3  }
0x1: {  	(tag) =	ssettag $0x0;
	lr =	simm.s32 $0x1  }
0x2: {  	[smem:$0x3F9B] =	sst lr;
	_ =	strace $0xD0000000  }
0x3: {  	_ = 	snop  }
0x4: {  	_ = 	snop  }
0x5: {  	_ = 	snop  }
0x6: {  	_ = 	snop  }
0x7: {  	_ = 	snop  }
__scs_overlays_trampoline_lowered:
0x8: {  	[smem:$0x3FAA] =	sst s0  }
0x9: {  	[smem:$0x3FAB] =	sst s1  }
0xa: {  	[smem:$0x3FAC] =	sst s2  }
0xb: {  	[smem:$0x3FAD] =	sst s3  }
0xc: {  	[smem:$0x3FAE] =	sst s4  }
0xd: {  	[smem:$0x3FAF] =	sst s5  }
0xe: {  	[smem:$0x3FB0] =	sst s6  }
0xf: {  	[smem:$0x3FB1] =	sst s7  }
0x10: {  	[smem:$0x3FB2] =	sst s8  }
0x11: {  	[smem:$0x3FB3] =	sst s9;
	s0 =	simm.s32 @!p0 $0x0  }
0x12: {  	s1 =	sld [smem:$0x3F99];
	s0 =	simm.s32 @p0 $0x1  }
0x13: {  	[smem:$0x3FB4] =	sst s0;
	s0 =	simm.s32 @!p1 $0x0  }
0x14: {  	s2 =	sld [smem:$0x3F98];
	s0 =	simm.s32 @p1 $0x1  }
0x15: {  	[smem:$0x3FB5] =	sst s0;
	s0 =	simm.s32 @!p2 $0x0  }
0x16: {  	s3 =	sld [smem:$0x3FDB];
	s0 =	simm.s32 @p2 $0x1  }
0x17: {  	s4 =	simm.s32 $0x1BF5;
	[smem:$0x3FB7] =	sst s0  }
0x18: {  	s0 =	sld [smem:$0x3F9A];
	_ =	swait.ge [sflag:s4], $0x0  }
0x19: {  	s7 =	sld [smem:$0x3F9B]  }
0x1a: {  	s8 =	sadd.s32 $0xFFFFE003, lr  }
0x1b: {  	s9 =	sadd.s32 $0xFFFFFEF7, lr;
	s5 =	simm.s32 $0xFFFFFFFF;
	p2 =	slt.u32 s8, $0xFFFFF086  }
0x1c: {  	p1 =	slt.u32 s9, $0xF7A;
	s5 =	simm.s32 @!p2 $0x0  }
0x1d: {  	s5 =	simm.s32 @p1 $0x1;
	p0 =	seq.s32 s7, s2  }
0x1e: {  	s7 =	smul.u32 @!p0 $0xF7A, s2;
	p2 =	seq.s32 @!p0 s5, $0x0  }
0x1f: {  	s9 =	smul.u32 $0xF7A, s1;
	s8 =	simm.s32 @!p0 $0x1BF5;
	p2 =	por !p2, p0  }
0x20: {  	[sflag:s8] =	ssyncset.s32 @!p0 $0xFFFFF086;
	s6 =	sadd.s32 @!p0 s3, s7;
	s7 =	simm.s32 @!p0 $0x108  }
0x21: {  	s3 =	sadd.s32 s3, s9;
	s6 =	sadd.s32 @!p0 $0x88, s6;
	s7 =	simm.s32 @p2 $0x1082  }
0x22: {  	[simem:s7], [sflag:s8] =	dma.local @!p0 [hbm:s6], $0xF7A  }
0x23: {  	s9 =	sor.u32 $0xD0000000, s2;
	s6 =	simm.s32 $0x108;
	_ =	swait.ge @!p0 [sflag:s8], $0x0  }
0x24: {  	s3 =	sadd.s32 $0x88, s3;
	s6 =	simm.s32 @!p1 $0x1082;
	[sflag:s4] =	ssyncset.s32 $0xFFFFF086  }
0x25: {  	[simem:s6], [sflag:s4] =	dma.local [hbm:s3], $0xF7A  }
0x26: {  	[smem:$0x3F9B] =	sst s1;
	(tag) =	ssettag s2;
	_ =	strace s9  }
0x27: {  	s1 =	sld [smem:$0x3FAB]  }
0x28: {  	s2 =	sld [smem:$0x3FAC]  }
0x29: {  	s4 =	sld [smem:$0x3FAE]  }
0x2a: {  	p0 =	seq.s32 s5, $0x0;
	s5 =	sld [smem:$0x3FAF]  }
0x2b: {  	s6 =	sld [smem:$0x3FB0]  }
0x2c: {  	s7 =	sld [smem:$0x3FB1]  }
0x2d: {  	s3 =	simm.s32 $0x108;
	s8 =	sld [smem:$0x3FB2]  }
0x2e: {  	s3 =	simm.s32 @!p0 $0x1082;
	s9 =	sld [smem:$0x3FB3]  }
0x2f: {  	lr =	sadd.s32 s0, s3;
	s0 =	sld [smem:$0x3FAA]  }
0x30: {  	s3 =	sld [smem:$0x3FAD]  }
0x31: {  	[smem:$0x3FB6] =	sst s10  }
0x32: {  	s10 =	sld [smem:$0x3FB4];
	_ =	sdelay $0x3  }
0x33: {  	p0 =	seq.s32 s10, $0x1;
	s10 =	sld [smem:$0x3FB6];
	_ =	sdelay $0x3  }
0x34: {  	[smem:$0x3FB6] =	sst s10  }
0x35: {  	s10 =	sld [smem:$0x3FB5];
	_ =	sdelay $0x3  }
0x36: {  	p1 =	seq.s32 s10, $0x1;
	s10 =	sld [smem:$0x3FB6];
	_ =	sdelay $0x3  }
0x37: {  	[smem:$0x3FB6] =	sst s10  }
0x38: {  	s10 =	sld [smem:$0x3FB7]  }
0x39: {  	_ = 	snop;
	(pc) =	sbr.ind lr, $3  }
0x3a: {  	_ = 	snop  }
0x3b: {  	_ = 	snop  }
0x3c: {  	p2 =	seq.s32 s10, $0x1;
	s10 =	sld [smem:$0x3FB6]  }
0x3d: {  	_ =	shalt  }
0x3e: {  	_ =	shalt  }
0x3f: {  	_ =	shalt  }
0x40: {  	_ =	shalt  }
0x41: {  	_ =	shalt  }
0x42: {  	_ =	shalt  }
0x43: {  	_ =	shalt  }
0x44: {  	_ =	shalt  }
0x45: {  	_ =	shalt  }
0x46: {  	_ =	shalt  }
0x47: {  	_ =	shalt  }
0x48: {  	_ =	shalt  }
0x49: {  	_ =	shalt  }
0x4a: {  	_ =	shalt  }
0x4b: {  	_ =	shalt  }
0x4c: {  	_ =	shalt  }
0x4d: {  	_ =	shalt  }
0x4e: {  	_ =	shalt  }
0x4f: {  	_ =	shalt  }
0x50: {  	_ =	shalt  }
0x51: {  	_ =	shalt  }
0x52: {  	_ =	shalt  }
0x53: {  	_ =	shalt  }
0x54: {  	_ =	shalt  }
0x55: {  	_ =	shalt  }
0x56: {  	_ =	shalt  }
0x57: {  	_ =	shalt  }
0x58: {  	_ =	shalt  }
0x59: {  	_ =	shalt  }
0x5a: {  	_ =	shalt  }
0x5b: {  	_ =	shalt  }
0x5c: {  	_ =	shalt  }
0x5d: {  	_ =	shalt  }
0x5e: {  	_ =	shalt  }
0x5f: {  	_ =	shalt  }
0x60: {  	_ =	shalt  }
0x61: {  	_ =	shalt  }
0x62: {  	_ =	shalt  }
0x63: {  	_ =	shalt  }
0x64: {  	_ =	shalt  }
0x65: {  	_ =	shalt  }
0x66: {  	_ =	shalt  }
0x67: {  	_ =	shalt  }
0x68: {  	_ =	shalt  }
0x69: {  	_ =	shalt  }
0x6a: {  	_ =	shalt  }
0x6b: {  	_ =	shalt  }
0x6c: {  	_ =	shalt  }
0x6d: {  	_ =	shalt  }
0x6e: {  	_ =	shalt  }
0x6f: {  	_ =	shalt  }
0x70: {  	_ =	shalt  }
0x71: {  	_ =	shalt  }
0x72: {  	_ =	shalt  }
0x73: {  	_ =	shalt  }
0x74: {  	_ =	shalt  }
0x75: {  	_ =	shalt  }
0x76: {  	_ =	shalt  }
0x77: {  	_ =	shalt  }
0x78: {  	_ =	shalt  }
0x79: {  	_ =	shalt  }
0x7a: {  	_ =	shalt  }
0x7b: {  	_ =	shalt  }
0x7c: {  	_ =	shalt  }
0x7d: {  	_ =	shalt  }
0x7e: {  	_ =	shalt  }
0x7f: {  	_ =	shalt  }
0x80: {  	_ =	shalt  }
0x81: {  	_ =	shalt  }
0x82: {  	_ =	shalt  }
0x83: {  	_ =	shalt  }
0x84: {  	_ =	shalt  }
0x85: {  	_ =	shalt  }
0x86: {  	_ =	shalt  }
0x87: {  	_ =	shalt  }
.Lfunc_end0:
.L_simem_size_0:
called_computation_lowered:
.L_overlay_start_0:
0x88: {  	s2 =	sld [smem:$0x3FD9]  }
0x89: {  	s3 =	sld [smem:$0x3FFE];
	_ =	sdelay $0x1  }
0x8a: {  	s1 =	srdreg.scid  }
0x8b: {  	s0 =	sand.u32 $0x1, s1  }
0x8c: {  	s17 =	sshll.u32 s0, $0xA;
	s2 =	sadd.s32 s3, s2  }
0x8d: {  	s2 =	sadd.s32 s2, s17  }
0x8e: {  	[smem:$0x3FC2] =	sst s2  }
0x8f: {  	_ = 	snop  }
0x90: {  	s2 =	sld [smem:$0x3FD0];
	(tm) =	ssettm $0x1  }
0x91: {  	s18 =	sld [smem:$0x3FFB];
	_ =	sdelay $0x3  }
0x92: {  	_ =	strace s18  }
0x93: {  	s3 =	sld [smem:$0x3FFC];
	_ =	sdelay $0x3  }
0x94: {  	_ =	strace s3  }
0x95: {  	s3 =	sld [smem:$0x3FFD];
	_ =	sdelay $0x3  }
0x96: {  	_ =	strace s3  }
0x97: {  	_ =	strace $0x8FFFFFFF  }
0x98: {  	s19 =	sld [smem:$0x3FDB];
	_ =	sdelay $0x1  }
0x99: {  	s4 =	simm.s32 $_scs_section_size  }
0x9a: {  	s5 =	simm.s32 $_size__tile_overlayer_lowered;
	s6 =	simm.s32 $_tile_overlayer_lowered  }
0x9b: {  	s22 =	simm.s32 $0x1BFF;
	s21 =	sshll.u32 s6, $0x1;
	s3 =	sadd.s32 s4, s19  }
0x9c: {  	s7 =	simm.s32 $0x0;
	s20 =	sshll.u32 s5, $0x1;
	s5 =	sadd.s32 s21, s3  }
0x9d: {  	[timem:s7], [sflag:s22] =	dma.local [hbm:s5], s20  }
0x9e: {  	_ =	swait.ge [sflag:s22], s20  }
0x9f: {  	s4 =	ssub.s32 $0x0, s20;
	[sflag:s22] =	ssyncset.done $0x0  }
0xa0: {  	[sflag:s22] =	ssyncadd.s32 s4;
	_ =	sdelay $0x1  }
0xa1: {  	s23 =	simm.s32 $0x1B8B  }
0xa2: {  	_ =	swait.ge [sflag:s23], $0x1  }
0xa3: {  	[sflag:s23] =	ssyncset.done $0x0  }
0xa4: {  	s25 =	simm.s32 $0x1B8E;
	s24 =	sld [smem:$0x3FFE];
	[sflag:s23] =	ssyncadd.s32 $0xFFFFFFFF  }
0xa5: {  	s26 =	simm.s32 $execute0_lowered;
	[smem:$0x3FD2] =	sst s25  }
0xa6: {  	s5 =	sshll.u32 s26, $0x1;
	_ =	strace $0x80000046;
	[dreg:$0x1] =	wrdreg $0xFFFFFFFF  }
0xa7: {  	s28 =	simm.s32 $_size_execute0_lowered;
	s3 =	sadd.s32 s3, s5;
	[dreg:$0x0] =	wrdreg $0x0  }
0xa8: {  	s5 =	sshll.u32 s28, $0x1;
	[dreg:$0x2] =	wrdreg s3  }
0xa9: {  	[dreg:$0x3] =	wrdreg s5  }
0xaa: {  	[dreg:$0x4] =	wrdreg $0xC0  }
0xab: {  	_ =	task [dreg:s7], $0x5FFFF  }
0xac: {  	[dreg:$0x1] =	wrdreg $0xFFFFFFFF  }
0xad: {  	[dreg:$0x0] =	wrdreg $0x60  }
0xae: {  	[dreg:$0x2] =	wrdreg s24  }
0xaf: {  	[dreg:$0x3] =	wrdreg s2  }
0xb0: {  	[dreg:$0x4] =	wrdreg $0x2A800  }
0xb1: {  	[dreg:$0x5] =	wrdreg $0x9  }
0xb2: {  	_ =	task.clear_ibuf [dreg:s7], $0x6FFFF;
	_ =	strace $0x90000046  }
0xb3: {  	s29 =	simm.s32 $0x9;
	_ =	strace $0x80000048  }
0xb4: {  	_ =	swait.ge [sflag:s29], $0x1  }
0xb5: {  	[sflag:s29] =	ssyncadd.s32 $0xFFFFFFFF  }
0xb6: {  	_ =	strace $0x90000048  }
0xb7: {  	_ =	sfence  }
0xb8: {  	s30 =	sld [smem:$0x0];
	_ =	sdelay $0x2  }
0xb9: {  	s31 =	sshll.u32 s1, $0xD;
	s1 =	sshrl.u32 s1, $0x2  }
0xba: {  	s3 =	sand.u32 $0x4000, s31;
	s1 =	sadd.s32 s1, s30  }
0xbb: {  	s0 =	sor.u32 s3, s0;
	s1 =	sshll.u32 s1, $0x11  }
0xbc: {  	s0 =	sor.u32 s1, s0  }
0xbd: {  	s0 =	sadd.s32 $0x8F2B, s0  }
0xbe: {  	[sflag:s0] =	ssyncadd.remote.s32 $0x1  }
0xbf: {  	_ =	sfence.sel $0xFFFF  }
0xc0: {  	[dreg:$0x0] =	wrdreg $0xFFFFFFFF;
	(pc) =	sbr.abs _section_cstart, $3  }
0xc1: {  	[dreg:$0x1] =	wrdreg $0xFFFFFFFF  }
0xc2: {  	_ =	task.clear_ibuf [dreg:s7], $0x2FFFF;
	_ =	strace $0x9FFFFFFF  }
0xc3: {  	(tm) =	ssettm $0x7FFFFFFF  }
tec
execute0_lowered:
.L_overlay_start_1:
0x0: {  	(tag) =	ssettag $0x1  }
0x1: {  	s4 =	rddreg [dreg:$0x0]  }
0x2: {  	s1 =	srdreg.scid;
	s6 =	rddreg [dreg:$0x1]  }
0x3: {  	s0 =	stileid.u32;
	s2 =	rddreg [dreg:$0x2]  }
0x4: {  	s3 =	simm.s32 $0x0;
	s11 =	simm.s32 $0x2780;
	s7 =	smul.u32 $0x4F00, s0  }
0x5: {  	s12 =	simm.s32 $0x1;
	s5 =	sand.u32 $0x1, s1;
	s9 =	smul.u32 $0x280, s0  }
0x6: {  	s15 =	simm.s32 $0x0;
	s1 =	rddreg [dreg:$0x3];
	s8 =	smul.u32 $0x2780, s5  }
0x7: {  	[smem:$0x7FF] =	sst s3;
	s13 =	sshll.u32 s0, $0x6;
	s30 =	smul.u32 $0x2800, s5  }
0x8: {  	_ =	strace $0x80000047;
	s5 =	ssub.s32 $0x2, s5;
	s13 =	sor.u32 $0x1C02, s13  }
0x9: {  	s31 =	sshrl.u32 s5, $0x1;
	s7 =	sadd.s32 s8, s7;
	s8 =	sadd.s32 s9, s30  }
0xa: {  	s10 =	ssub.s32 s5, s31;
	s7 =	sshrl.u32 s7, $0x3;
	s8 =	sshrl.u32 s8, $0x3  }
0xb: {  	s7 =	sadd.s32 s7, s4;
	s4 =	sadd.s32 s9, s2;
	s6 =	sadd.s32 s6, s8  }
0xc: {  	s8 =	simm.s32 $0x2800;
	s9 =	simm.s32 $0x2;
	s5 =	sadd.s32 $0x1200, s7  }
0xd: {  	v0 =	vimm.f32 $0.0e+00;
	v1 =	vimm.f32 $1.000000000e+00;
	s7 =	smax.u32 s10, $0x1;
	s10 =	simm.s32 $0x80;
	s14 =	sshrl.u32 s4, $0x3  }
.LBB2_1:
0xe: {  	[tilespmem:$0x2800] =	vst v0  }
0xf: {  	[tilespmem:$0x2810] =	vst v0  }
0x10: {  	[tilespmem:$0x2820] =	vst v0  }
0x11: {  	[tilespmem:$0x2830] =	vst v0  }
0x12: {  	[tilespmem:$0x2840] =	vst v0  }
0x13: {  	[tilespmem:$0x2850] =	vst v0  }
0x14: {  	[tilespmem:$0x2860] =	vst v0  }
0x15: {  	[tilespmem:$0x2870] =	vst v0  }
0x16: {  	[tilespmem:$0x2880] =	vst v0  }
0x17: {  	[tilespmem:$0x2890] =	vst v0  }
0x18: {  	[tilespmem:$0x28A0] =	vst v0  }
0x19: {  	[tilespmem:$0x28B0] =	vst v0  }
0x1a: {  	[tilespmem:$0x28C0] =	vst v0  }
0x1b: {  	[tilespmem:$0x28D0] =	vst v0  }
0x1c: {  	[tilespmem:$0x28E0] =	vst v0  }
0x1d: {  	[tilespmem:$0x28F0] =	vst v0  }
0x1e: {  	[tilespmem:$0x2900] =	vst v0  }
0x1f: {  	[tilespmem:$0x2910] =	vst v0  }
0x20: {  	[tilespmem:$0x2920] =	vst v0  }
0x21: {  	[tilespmem:$0x2930] =	vst v0  }
0x22: {  	[tilespmem:$0x2940] =	vst v0  }
0x23: {  	[tilespmem:$0x2950] =	vst v0  }
0x24: {  	[tilespmem:$0x2960] =	vst v0  }
0x25: {  	[tilespmem:$0x2970] =	vst v0  }
0x26: {  	[tilespmem:$0x2980] =	vst v0  }
0x27: {  	[tilespmem:$0x2990] =	vst v0  }
0x28: {  	[tilespmem:$0x29A0] =	vst v0  }
0x29: {  	[tilespmem:$0x29B0] =	vst v0  }
0x2a: {  	[tilespmem:$0x29C0] =	vst v0  }
0x2b: {  	[tilespmem:$0x29D0] =	vst v0  }
0x2c: {  	[tilespmem:$0x29E0] =	vst v0  }
0x2d: {  	[tilespmem:$0x29F0] =	vst v0  }
0x2e: {  	[tilespmem:$0x2A00] =	vst v0  }
0x2f: {  	[tilespmem:$0x2A10] =	vst v0  }
0x30: {  	[tilespmem:$0x2A20] =	vst v0  }
0x31: {  	[tilespmem:$0x2A30] =	vst v0  }
0x32: {  	[tilespmem:$0x2A40] =	vst v0  }
0x33: {  	[tilespmem:$0x2A50] =	vst v0  }
0x34: {  	[tilespmem:$0x2A60] =	vst v0  }
0x35: {  	[tilespmem:$0x2A70] =	vst v0  }
0x36: {  	[tilespmem:$0x2780] =	vst v1  }
0x37: {  	[tilespmem:$0x2790] =	vst v1  }
0x38: {  	[tilespmem:$0x27A0] =	vst v1  }
0x39: {  	[tilespmem:$0x27B0] =	vst v1  }
0x3a: {  	[tilespmem:$0x27C0] =	vst v1  }
0x3b: {  	[tilespmem:$0x27D0] =	vst v1  }
0x3c: {  	[tilespmem:$0x27E0] =	vst v1  }
0x3d: {  	[tilespmem:$0x27F0] =	vst v1  }
0x3e: {  	[spmem:s4] =	stream.linear.scatter [tilespmem:s8], [sflag:$0x2], $0x280, $0x38;
	[tilespmem:$0x2D00] =	vst v63  }
0x3f: {  	_ =	swait.ge [sflag:s9], $0x280  }
0x40: {  	[sflag:s9] =	ssyncset.done $0x0  }
0x41: {  	[sflag:s9] =	ssyncadd.s32 $0xFFFFFD80  }
0x42: {  	[bflag:$0x0] =	sbarrier.arrive $0xFFFF  }
0x43: {  	[tilespmem:s3], [sflag:$0x2] =	stream.linear.gather [hbm4b:s5+s3], $0x2780, $0x38;
	[tilespmem:$0x2D00] =	vst v63  }
0x44: {  	_ =	swait.ge [sflag:s9], $0x2780  }
0x45: {  	[sflag:s9] =	ssyncset.done $0x0  }
0x46: {  	s16 =	simm.s32 $0x0;
	[sflag:s9] =	ssyncadd.s32 $0xFFFFD880  }
.LBB2_2:
0x47: {  	p0 =	sne.s32 s16, $0x9C00  }
.Ltmp0:
0x48: {  	_ = 	snop;
	(pc) =	sbr.rel @p0 .LBB2_2-.Ltmp0, $3  }
0x49: {  	_ =	sdelay $0x1  }
0x4a: {  	s17 =	sshra.s32 s16, $0x2;
	s16 =	sadd.s32 $0x200, s16  }
0x4b: {  	[spmem:s2] =	stream.indirect.scatter.add.f32 [tilespmem:s11], [sflag:$0x1], $0x1, s17, s10, $0xb8;
	[tilespmem:$0x2D00] =	vst v63  }
0x4c: {  	_ =	swait.ge [sflag:s12], $0x80  }
0x4d: {  	s16 =	simm.s32 $0x4E;
	[sflag:s12] =	ssyncset.done $0x0  }
.LBB2_4:
0x4e: {  	p0 =	sne.s32 s16, $0x1;
	s16 =	sadd.s32 $0xFFFFFFFF, s16;
	[sflag:s12] =	ssyncadd.s32 $0xFFFFFF80  }
.Ltmp1:
0x4f: {  	(pc) =	sbr.rel @p0 .LBB2_4-.Ltmp1, $3  }
0x50: {  	_ =	sdelay $0x1  }
0x51: {  	_ =	swait.ge [sflag:s12], $0x80  }
0x52: {  	[sflag:s12] =	ssyncset.done $0x0  }
0x53: {  	s15 =	sadd.s32 $0x1, s15  }
0x54: {  	[sflag:s12] =	ssyncadd.s32 $0xFFFFFF80;
	p0 =	sne.s32 s15, s7  }
.Ltmp2:
0x55: {  	[bflag:$0x0] =	sbarrier.arrive $0xFFFF;
	(pc) =	sbr.rel @p0 .LBB2_1-.Ltmp2, $4  }
0x56: {  	[hbm:s6], [sflag:s13] =	dma.local [spmem:s14], $0x50  }
0x57: {  	_ =	swait.ge [sflag:s9], $0x50  }
0x58: {  	[sflag:s9] =	ssyncset.done $0x0  }
0x59: {  	[sflag:s9] =	ssyncadd.s32 $0xFFFFFFB0  }
0x5a: {  	_ =	sfence.sel $0x180000  }
0x5b: {  	[bflag:$0x0] =	sbarrier.arrive $0xFFFF  }
0x5c: {  	p0 =	sne.s32 s0, $0x0;
	_ =	strace $0x90000047  }
0x5d: {  	s0 =	sadd.s32 @!p0 $0x100000, s1;
	[bflag:$0x2] =	sbarrier.arrive $0xFFFF  }
0x5e: {  	[sflag:s0] =	ssyncadd.tile.s32 @!p0 $0x1;
	_ =	shalt  }
.Lfunc_end2:
_tile_overlayer_lowered:
.L_overlay_start_2:
0x5f: {  	(tag) =	ssettag $0x2  }
0x60: {  	s0 =	rddreg [dreg:$0x0];
	s2 =	stileid.u32  }
0x61: {  	s1 =	rddreg [dreg:$0x1];
	p0 =	sne.s32 s2, $0x0  }
0x62: {  	s3 =	rddreg [dreg:$0x2];
	[bflag:$0x3] =	sbarrier.arrive $0xFFFF;
	s2 =	simm.s32 @!p0 $0x1C02  }
0x63: {  	[timem:s3], [sflag:s2] =	dma.local @!p0 [hbm:s0], s1  }
0x64: {  	s0 =	simm.s32 @!p0 $0x2  }
0x65: {  	_ =	swait.ge @!p0 [sflag:s0], s1  }
0x66: {  	s1 =	ssub.s32 @!p0 $0x0, s1;
	[sflag:s0] =	ssyncset.done @!p0 $0x0  }
0x67: {  	[sflag:s0] =	ssyncadd.s32 @!p0 s1  }
0x68: {  	[bflag:$0x3] =	sbarrier.arrive $0xFFFF  }
0x69: {  	_ =	shalt  }

// kernel: kernel.9.cloned.1.call-start
scs
__scs_entry_jumppad:
0x0: {  	(pc) =	sbr.rel $0x88, $3  }
0x1: {  	(tag) =	ssettag $0x0;
	lr =	simm.s32 $0x1  }
0x2: {  	[smem:$0x3F9B] =	sst lr;
	_ =	strace $0xD0000000  }
0x3: {  	_ = 	snop  }
0x4: {  	_ = 	snop  }
0x5: {  	_ = 	snop  }
0x6: {  	_ = 	snop  }
0x7: {  	_ = 	snop  }
__scs_overlays_trampoline_lowered:
0x8: {  	[smem:$0x3FAA] =	sst s0  }
0x9: {  	[smem:$0x3FAB] =	sst s1  }
0xa: {  	[smem:$0x3FAC] =	sst s2  }
0xb: {  	[smem:$0x3FAD] =	sst s3  }
0xc: {  	[smem:$0x3FAE] =	sst s4  }
0xd: {  	[smem:$0x3FAF] =	sst s5  }
0xe: {  	[smem:$0x3FB0] =	sst s6  }
0xf: {  	[smem:$0x3FB1] =	sst s7  }
0x10: {  	[smem:$0x3FB2] =	sst s8  }
0x11: {  	[smem:$0x3FB3] =	sst s9;
	s0 =	simm.s32 @!p0 $0x0  }
0x12: {  	s1 =	sld [smem:$0x3F99];
	s0 =	simm.s32 @p0 $0x1  }
0x13: {  	[smem:$0x3FB4] =	sst s0;
	s0 =	simm.s32 @!p1 $0x0  }
0x14: {  	s2 =	sld [smem:$0x3F98];
	s0 =	simm.s32 @p1 $0x1  }
0x15: {  	[smem:$0x3FB5] =	sst s0;
	s0 =	simm.s32 @!p2 $0x0  }
0x16: {  	s3 =	sld [smem:$0x3FDB];
	s0 =	simm.s32 @p2 $0x1  }
0x17: {  	s4 =	simm.s32 $0x1BF5;
	[smem:$0x3FB7] =	sst s0  }
0x18: {  	s0 =	sld [smem:$0x3F9A];
	_ =	swait.ge [sflag:s4], $0x0  }
0x19: {  	s7 =	sld [smem:$0x3F9B]  }
0x1a: {  	s8 =	sadd.s32 $0xFFFFE003, lr  }
0x1b: {  	s9 =	sadd.s32 $0xFFFFFEF7, lr;
	s5 =	simm.s32 $0xFFFFFFFF;
	p2 =	slt.u32 s8, $0xFFFFF086  }
0x1c: {  	p1 =	slt.u32 s9, $0xF7A;
	s5 =	simm.s32 @!p2 $0x0  }
0x1d: {  	s5 =	simm.s32 @p1 $0x1;
	p0 =	seq.s32 s7, s2  }
0x1e: {  	s7 =	smul.u32 @!p0 $0xF7A, s2;
	p2 =	seq.s32 @!p0 s5, $0x0  }
0x1f: {  	s9 =	smul.u32 $0xF7A, s1;
	s8 =	simm.s32 @!p0 $0x1BF5;
	p2 =	por !p2, p0  }
0x20: {  	[sflag:s8] =	ssyncset.s32 @!p0 $0xFFFFF086;
	s6 =	sadd.s32 @!p0 s3, s7;
	s7 =	simm.s32 @!p0 $0x108  }
0x21: {  	s3 =	sadd.s32 s3, s9;
	s6 =	sadd.s32 @!p0 $0x88, s6;
	s7 =	simm.s32 @p2 $0x1082  }
0x22: {  	[simem:s7], [sflag:s8] =	dma.local @!p0 [hbm:s6], $0xF7A  }
0x23: {  	s9 =	sor.u32 $0xD0000000, s2;
	s6 =	simm.s32 $0x108;
	_ =	swait.ge @!p0 [sflag:s8], $0x0  }
0x24: {  	s3 =	sadd.s32 $0x88, s3;
	s6 =	simm.s32 @!p1 $0x1082;
	[sflag:s4] =	ssyncset.s32 $0xFFFFF086  }
0x25: {  	[simem:s6], [sflag:s4] =	dma.local [hbm:s3], $0xF7A  }
0x26: {  	[smem:$0x3F9B] =	sst s1;
	(tag) =	ssettag s2;
	_ =	strace s9  }
0x27: {  	s1 =	sld [smem:$0x3FAB]  }
0x28: {  	s2 =	sld [smem:$0x3FAC]  }
0x29: {  	s4 =	sld [smem:$0x3FAE]  }
0x2a: {  	p0 =	seq.s32 s5, $0x0;
	s5 =	sld [smem:$0x3FAF]  }
0x2b: {  	s6 =	sld [smem:$0x3FB0]  }
0x2c: {  	s7 =	sld [smem:$0x3FB1]  }
0x2d: {  	s3 =	simm.s32 $0x108;
	s8 =	sld [smem:$0x3FB2]  }
0x2e: {  	s3 =	simm.s32 @!p0 $0x1082;
	s9 =	sld [smem:$0x3FB3]  }
0x2f: {  	lr =	sadd.s32 s0, s3;
	s0 =	sld [smem:$0x3FAA]  }
0x30: {  	s3 =	sld [smem:$0x3FAD]  }
0x31: {  	[smem:$0x3FB6] =	sst s10  }
0x32: {  	s10 =	sld [smem:$0x3FB4];
	_ =	sdelay $0x3  }
0x33: {  	p0 =	seq.s32 s10, $0x1;
	s10 =	sld [smem:$0x3FB6];
	_ =	sdelay $0x3  }
0x34: {  	[smem:$0x3FB6] =	sst s10  }
0x35: {  	s10 =	sld [smem:$0x3FB5];
	_ =	sdelay $0x3  }
0x36: {  	p1 =	seq.s32 s10, $0x1;
	s10 =	sld [smem:$0x3FB6];
	_ =	sdelay $0x3  }
0x37: {  	[smem:$0x3FB6] =	sst s10  }
0x38: {  	s10 =	sld [smem:$0x3FB7]  }
0x39: {  	_ = 	snop;
	(pc) =	sbr.ind lr, $3  }
0x3a: {  	_ = 	snop  }
0x3b: {  	_ = 	snop  }
0x3c: {  	p2 =	seq.s32 s10, $0x1;
	s10 =	sld [smem:$0x3FB6]  }
0x3d: {  	_ =	shalt  }
0x3e: {  	_ =	shalt  }
0x3f: {  	_ =	shalt  }
0x40: {  	_ =	shalt  }
0x41: {  	_ =	shalt  }
0x42: {  	_ =	shalt  }
0x43: {  	_ =	shalt  }
0x44: {  	_ =	shalt  }
0x45: {  	_ =	shalt  }
0x46: {  	_ =	shalt  }
0x47: {  	_ =	shalt  }
0x48: {  	_ =	shalt  }
0x49: {  	_ =	shalt  }
0x4a: {  	_ =	shalt  }
0x4b: {  	_ =	shalt  }
0x4c: {  	_ =	shalt  }
0x4d: {  	_ =	shalt  }
0x4e: {  	_ =	shalt  }
0x4f: {  	_ =	shalt  }
0x50: {  	_ =	shalt  }
0x51: {  	_ =	shalt  }
0x52: {  	_ =	shalt  }
0x53: {  	_ =	shalt  }
0x54: {  	_ =	shalt  }
0x55: {  	_ =	shalt  }
0x56: {  	_ =	shalt  }
0x57: {  	_ =	shalt  }
0x58: {  	_ =	shalt  }
0x59: {  	_ =	shalt  }
0x5a: {  	_ =	shalt  }
0x5b: {  	_ =	shalt  }
0x5c: {  	_ =	shalt  }
0x5d: {  	_ =	shalt  }
0x5e: {  	_ =	shalt  }
0x5f: {  	_ =	shalt  }
0x60: {  	_ =	shalt  }
0x61: {  	_ =	shalt  }
0x62: {  	_ =	shalt  }
0x63: {  	_ =	shalt  }
0x64: {  	_ =	shalt  }
0x65: {  	_ =	shalt  }
0x66: {  	_ =	shalt  }
0x67: {  	_ =	shalt  }
0x68: {  	_ =	shalt  }
0x69: {  	_ =	shalt  }
0x6a: {  	_ =	shalt  }
0x6b: {  	_ =	shalt  }
0x6c: {  	_ =	shalt  }
0x6d: {  	_ =	shalt  }
0x6e: {  	_ =	shalt  }
0x6f: {  	_ =	shalt  }
0x70: {  	_ =	shalt  }
0x71: {  	_ =	shalt  }
0x72: {  	_ =	shalt  }
0x73: {  	_ =	shalt  }
0x74: {  	_ =	shalt  }
0x75: {  	_ =	shalt  }
0x76: {  	_ =	shalt  }
0x77: {  	_ =	shalt  }
0x78: {  	_ =	shalt  }
0x79: {  	_ =	shalt  }
0x7a: {  	_ =	shalt  }
0x7b: {  	_ =	shalt  }
0x7c: {  	_ =	shalt  }
0x7d: {  	_ =	shalt  }
0x7e: {  	_ =	shalt  }
0x7f: {  	_ =	shalt  }
0x80: {  	_ =	shalt  }
0x81: {  	_ =	shalt  }
0x82: {  	_ =	shalt  }
0x83: {  	_ =	shalt  }
0x84: {  	_ =	shalt  }
0x85: {  	_ =	shalt  }
0x86: {  	_ =	shalt  }
0x87: {  	_ =	shalt  }
.Lfunc_end0:
.L_simem_size_0:
called_computation.1_lowered:
.L_overlay_start_0:
0x88: {  	s2 =	sld [smem:$0x3FD9]  }
0x89: {  	s3 =	sld [smem:$0x3FFE];
	_ =	sdelay $0x1  }
0x8a: {  	s1 =	srdreg.scid  }
0x8b: {  	s0 =	sand.u32 $0x1, s1  }
0x8c: {  	s17 =	sshll.u32 s0, $0xA;
	s2 =	sadd.s32 s3, s2  }
0x8d: {  	s2 =	sadd.s32 s2, s17  }
0x8e: {  	[smem:$0x3FC2] =	sst s2  }
0x8f: {  	_ = 	snop  }
0x90: {  	s2 =	sld [smem:$0x3FD0];
	(tm) =	ssettm $0x1  }
0x91: {  	s18 =	sld [smem:$0x3FFB];
	_ =	sdelay $0x3  }
0x92: {  	_ =	strace s18  }
0x93: {  	s3 =	sld [smem:$0x3FFC];
	_ =	sdelay $0x3  }
0x94: {  	_ =	strace s3  }
0x95: {  	s3 =	sld [smem:$0x3FFD];
	_ =	sdelay $0x3  }
0x96: {  	_ =	strace s3  }
0x97: {  	_ =	strace $0x8FFFFFFF  }
0x98: {  	s19 =	sld [smem:$0x3FDB];
	_ =	sdelay $0x1  }
0x99: {  	s4 =	simm.s32 $_scs_section_size  }
0x9a: {  	s5 =	simm.s32 $_size__tile_overlayer_lowered;
	s6 =	simm.s32 $_tile_overlayer_lowered  }
0x9b: {  	s22 =	simm.s32 $0x1BFF;
	s21 =	sshll.u32 s6, $0x1;
	s3 =	sadd.s32 s4, s19  }
0x9c: {  	s7 =	simm.s32 $0x0;
	s20 =	sshll.u32 s5, $0x1;
	s5 =	sadd.s32 s21, s3  }
0x9d: {  	[timem:s7], [sflag:s22] =	dma.local [hbm:s5], s20  }
0x9e: {  	_ =	swait.ge [sflag:s22], s20  }
0x9f: {  	s4 =	ssub.s32 $0x0, s20;
	[sflag:s22] =	ssyncset.done $0x0  }
0xa0: {  	[sflag:s22] =	ssyncadd.s32 s4;
	_ =	sdelay $0x1  }
0xa1: {  	s23 =	simm.s32 $0x1B8B  }
0xa2: {  	_ =	swait.ge [sflag:s23], $0x1  }
0xa3: {  	[sflag:s23] =	ssyncset.done $0x0  }
0xa4: {  	s25 =	simm.s32 $0x1B8E;
	s24 =	sld [smem:$0x3FFE];
	[sflag:s23] =	ssyncadd.s32 $0xFFFFFFFF  }
0xa5: {  	s26 =	simm.s32 $execute0_lowered;
	[smem:$0x3FD2] =	sst s25  }
0xa6: {  	s5 =	sshll.u32 s26, $0x1;
	_ =	strace $0x80000049;
	[dreg:$0x1] =	wrdreg $0xFFFFFFFF  }
0xa7: {  	s28 =	simm.s32 $_size_execute0_lowered;
	s3 =	sadd.s32 s3, s5;
	[dreg:$0x0] =	wrdreg $0x0  }
0xa8: {  	s5 =	sshll.u32 s28, $0x1;
	[dreg:$0x2] =	wrdreg s3  }
0xa9: {  	[dreg:$0x3] =	wrdreg s5  }
0xaa: {  	[dreg:$0x4] =	wrdreg $0xC0  }
0xab: {  	_ =	task [dreg:s7], $0x5FFFF  }
0xac: {  	[dreg:$0x1] =	wrdreg $0xFFFFFFFF  }
0xad: {  	[dreg:$0x0] =	wrdreg $0x60  }
0xae: {  	[dreg:$0x2] =	wrdreg s24  }
0xaf: {  	[dreg:$0x3] =	wrdreg s2  }
0xb0: {  	[dreg:$0x4] =	wrdreg $0xBE000  }
0xb1: {  	[dreg:$0x5] =	wrdreg $0x9  }
0xb2: {  	_ =	task.clear_ibuf [dreg:s7], $0x6FFFF;
	_ =	strace $0x90000049  }
0xb3: {  	s29 =	simm.s32 $0x9;
	_ =	strace $0x8000004B  }
0xb4: {  	_ =	swait.ge [sflag:s29], $0x1  }
0xb5: {  	[sflag:s29] =	ssyncadd.s32 $0xFFFFFFFF  }
0xb6: {  	_ =	strace $0x9000004B  }
0xb7: {  	_ =	sfence  }
0xb8: {  	s30 =	sld [smem:$0x0];
	_ =	sdelay $0x2  }
0xb9: {  	s31 =	sshll.u32 s1, $0xD;
	s1 =	sshrl.u32 s1, $0x2  }
0xba: {  	s3 =	sand.u32 $0x4000, s31;
	s1 =	sadd.s32 s1, s30  }
0xbb: {  	s0 =	sor.u32 s3, s0;
	s1 =	sshll.u32 s1, $0x11  }
0xbc: {  	s0 =	sor.u32 s1, s0  }
0xbd: {  	s0 =	sadd.s32 $0x8F2B, s0  }
0xbe: {  	[sflag:s0] =	ssyncadd.remote.s32 $0x1  }
0xbf: {  	_ =	sfence.sel $0xFFFF  }
0xc0: {  	[dreg:$0x0] =	wrdreg $0xFFFFFFFF;
	(pc) =	sbr.abs _section_cstart, $3  }
0xc1: {  	[dreg:$0x1] =	wrdreg $0xFFFFFFFF  }
0xc2: {  	_ =	task.clear_ibuf [dreg:s7], $0x2FFFF;
	_ =	strace $0x9FFFFFFF  }
0xc3: {  	(tm) =	ssettm $0x7FFFFFFF  }
tec
execute0_lowered:
.L_overlay_start_1:
0x0: {  	(tag) =	ssettag $0x1  }
0x1: {  	s0 =	rddreg [dreg:$0x0]  }
0x2: {  	s2 =	rddreg [dreg:$0x1]  }
0x3: {  	s3 =	rddreg [dreg:$0x2]  }
0x4: {  	s1 =	stileid.u32;
	s5 =	srdreg.scid;
	s4 =	simm.s32 $0x0  }
0x5: {  	s29 =	simm.s32 $0x4;
	s30 =	simm.s32 $0x0;
	s6 =	smul.u32 $0x9E0, s1  }
0x6: {  	s12 =	sand.u32 $0x1, s5;
	[smem:$0x7FF] =	sst s4;
	s13 =	smul.u32 $0xA000, s1  }
0x7: {  	s5 =	ssub.s32 $0x2, s12;
	_ =	strace $0x8000004A;
	s19 =	smul.u32 $0xA0000, s12  }
0x8: {  	s28 =	smul.u32 $0x2800, s12;
	s11 =	sadd.s32 s6, s0;
	s20 =	sshrl.u32 s5, $0x1  }
0x9: {  	s0 =	sadd.s32 $0x14E00, s0;
	s14 =	sadd.s32 $0x2000, s13;
	s21 =	sshrl.u32 s13, $0x1  }
0xa: {  	s15 =	sadd.s32 $0x4000, s13;
	s16 =	sadd.s32 $0x6000, s13;
	s18 =	sadd.s32 $0x8000, s13  }
0xb: {  	s17 =	ssub.s32 s5, s20;
	s22 =	sshrl.u32 s14, $0x1;
	s5 =	sadd.s32 s21, s3  }
0xc: {  	s7 =	sshrl.u32 s15, $0x1;
	s8 =	sshrl.u32 s16, $0x1;
	s9 =	sshrl.u32 s18, $0x1  }
0xd: {  	s10 =	sadd.s32 $0xB000, s11;
	s11 =	sadd.s32 $0x1200, s11;
	s13 =	sadd.s32 s13, s19  }
0xe: {  	s14 =	sadd.s32 s19, s14;
	s25 =	sadd.s32 s19, s15;
	s26 =	sadd.s32 s19, s16  }
0xf: {  	s31 =	sadd.s32 s19, s18;
	s18 =	simm.s32 $0x9E00;
	s19 =	simm.s32 $0x5  }
0x10: {  	s20 =	simm.s32 $0x4F00;
	s21 =	simm.s32 $0x80;
	v0 =	vmov s28;
	s28 =	simm.s32 $0x100  }
0x11: {  	s6 =	sadd.s32 s22, s3;
	s7 =	sadd.s32 s7, s3;
	s8 =	sadd.s32 s8, s3  }
0x12: {  	s9 =	sadd.s32 s9, s3;
	s23 =	sshrl.u32 s13, $0x4;
	s24 =	sshrl.u32 s14, $0x4  }
.Ltmp0:
0x13: {  	s14 =	sshrl.u32 s25, $0x4;
	s15 =	sshrl.u32 s26, $0x4;
	(pc) =	sbr.rel .LBB2_1-.Ltmp0, $4  }
0x14: {  	s16 =	sshrl.u32 s31, $0x4;
	s17 =	smax.u32 s17, $0x1;
	s22 =	simm.s32 $0x1  }
0x15: {  	s25 =	simm.s32 $0x4F80;
	s26 =	simm.s32 $0x3;
	s12 =	sadd.s32 s0, s23  }
0x16: {  	s13 =	sadd.s32 s0, s24;
	s14 =	sadd.s32 s0, s14;
	s15 =	sadd.s32 s0, s15  }
0x17: {  	v1 =	vimm.bf16 $0.0e+00;
	s16 =	sadd.s32 s0, s16;
	s23 =	simm.s32 $0xAE00;
	s24 =	simm.s32 $0x2  }
.LBB2_8:
0x18: {  	_ =	swait.ge [sflag:s29], $0x1000  }
0x19: {  	[sflag:s29] =	ssyncset.done $0x0  }
0x1a: {  	s0 =	sshll.u32 s1, $0x6;
	[sflag:s29] =	ssyncadd.s32 $0xFFFFF000  }
0x1b: {  	s4 =	sshrl.u32 s5, $0x3;
	s0 =	sor.u32 $0x1C05, s0;
	[bflag:$0x0] =	sbarrier.arrive $0xFFFF  }
0x1c: {  	[hbm:s12], [sflag:s0] =	dma.local [spmem:s4], $0x200  }
0x1d: {  	_ =	swait.ge [sflag:s19], $0x200  }
0x1e: {  	[sflag:s19] =	ssyncset.done $0x0  }
0x1f: {  	s31 =	sshrl.u32 s6, $0x3;
	[sflag:s19] =	ssyncadd.s32 $0xFFFFFE00  }
0x20: {  	[hbm:s13], [sflag:s0] =	dma.local [spmem:s31], $0x200  }
0x21: {  	_ =	swait.ge [sflag:s19], $0x200  }
0x22: {  	[sflag:s19] =	ssyncset.done $0x0  }
0x23: {  	s31 =	sshrl.u32 s7, $0x3;
	[sflag:s19] =	ssyncadd.s32 $0xFFFFFE00  }
0x24: {  	[hbm:s14], [sflag:s0] =	dma.local [spmem:s31], $0x200  }
0x25: {  	_ =	swait.ge [sflag:s19], $0x200  }
0x26: {  	[sflag:s19] =	ssyncset.done $0x0  }
0x27: {  	s31 =	sshrl.u32 s8, $0x3;
	[sflag:s19] =	ssyncadd.s32 $0xFFFFFE00  }
0x28: {  	[hbm:s15], [sflag:s0] =	dma.local [spmem:s31], $0x200  }
0x29: {  	s30 =	sadd.s32 $0x1, s30;
	_ =	swait.ge [sflag:s19], $0x200  }
0x2a: {  	p0 =	sne.s32 s30, s17;
	[sflag:s19] =	ssyncset.done $0x0  }
.Ltmp1:
0x2b: {  	s31 =	sshrl.u32 s9, $0x3;
	[sflag:s19] =	ssyncadd.s32 $0xFFFFFE00;
	(pc) =	sbr.rel @!p0 .LBB2_9-.Ltmp1, $4  }
0x2c: {  	[hbm:s16], [sflag:s0] =	dma.local [spmem:s31], $0x200  }
0x2d: {  	_ =	swait.ge [sflag:s19], $0x200  }
0x2e: {  	[sflag:s19] =	ssyncset.done $0x0  }
0x2f: {  	[sflag:s19] =	ssyncadd.s32 $0xFFFFFE00  }
.LBB2_1:
0x30: {  	s0 =	simm.s32 $0x80;
	s31 =	simm.s32 $0x0  }
.LBB2_2:
0x31: {  	p0 =	sne.s32 s0, $0x3F80;
	[tilespmem:s31+$0x9E00] =	vst v1;
	s4 =	smov.u32 s0;
	s0 =	sadd.s32 $0x80, s0  }
.Ltmp2:
0x32: {  	[tilespmem:s31+$0x9E10] =	vst v1;
	(pc) =	sbr.rel @p0 .LBB2_2-.Ltmp2, $2  }
0x33: {  	_ =	sdelay $0x2  }
0x34: {  	s31 =	sshra.s32 s4, $0x2  }
0x35: {  	[tilespmem:s31+$0x9E00] =	vst v1  }
0x36: {  	[tilespmem:s31+$0x9E10] =	vst v1  }
0x37: {  	[spmem:s5] =	stream.linear.scatter [tilespmem:s18], [sflag:$0x5], $0x1000, $0x38;
	[tilespmem:$0x10E00] =	vst v63  }
0x38: {  	_ =	swait.ge [sflag:s19], $0x1000  }
0x39: {  	[sflag:s19] =	ssyncset.done $0x0  }
0x3a: {  	[sflag:s19] =	ssyncadd.s32 $0xFFFFF000  }
0x3b: {  	[spmem:s6] =	stream.linear.scatter [tilespmem:s18], [sflag:$0x5], $0x1000, $0x38;
	[tilespmem:$0x10E00] =	vst v63  }
0x3c: {  	_ =	swait.ge [sflag:s19], $0x1000  }
0x3d: {  	[sflag:s19] =	ssyncset.done $0x0  }
0x3e: {  	[sflag:s19] =	ssyncadd.s32 $0xFFFFF000  }
0x3f: {  	[spmem:s7] =	stream.linear.scatter [tilespmem:s18], [sflag:$0x5], $0x1000, $0x38;
	[tilespmem:$0x10E00] =	vst v63  }
0x40: {  	_ =	swait.ge [sflag:s19], $0x1000  }
0x41: {  	[sflag:s19] =	ssyncset.done $0x0  }
0x42: {  	[sflag:s19] =	ssyncadd.s32 $0xFFFFF000  }
0x43: {  	[spmem:s8] =	stream.linear.scatter [tilespmem:s18], [sflag:$0x5], $0x1000, $0x38;
	[tilespmem:$0x10E00] =	vst v63  }
0x44: {  	_ =	swait.ge [sflag:s19], $0x1000  }
0x45: {  	[sflag:s19] =	ssyncset.done $0x0  }
0x46: {  	[sflag:s19] =	ssyncadd.s32 $0xFFFFF000  }
0x47: {  	[spmem:s9] =	stream.linear.scatter [tilespmem:s18], [sflag:$0x5], $0x1000, $0x38;
	[tilespmem:$0x10E00] =	vst v63  }
0x48: {  	_ =	swait.ge [sflag:s19], $0x1000  }
0x49: {  	[sflag:s19] =	ssyncset.done $0x0  }
0x4a: {  	s0 =	simm.s32 $0x0;
	[sflag:s19] =	ssyncadd.s32 $0xFFFFF000  }
0x4b: {  	[tilespmem:s0], [sflag:$0x5] =	stream.linear.gather [hbm4b:s10+s0], $0x4F00, $0x38;
	[tilespmem:$0x10E00] =	vst v63  }
0x4c: {  	_ =	swait.ge [sflag:s19], $0x4F00  }
0x4d: {  	[sflag:s19] =	ssyncset.done $0x0  }
0x4e: {  	[sflag:s19] =	ssyncadd.s32 $0xFFFFB100  }
0x4f: {  	[tilespmem:s20], [sflag:$0x5] =	stream.linear.gather [hbm4b:s11+s0], $0x4F00, $0x38;
	[tilespmem:$0x10E00] =	vst v63  }
0x50: {  	_ =	swait.ge [sflag:s19], $0x4F00  }
0x51: {  	[sflag:s19] =	ssyncset.done $0x0  }
0x52: {  	s31 =	simm.s32 $0x40;
	s0 =	simm.s32 $0x0;
	[sflag:s19] =	ssyncadd.s32 $0xFFFFB100  }
.LBB2_4:
0x53: {  	p0 =	sne.s32 s31, $0x13BC0;
	v2 =	vld [tilespmem:s0+$0x0];
	_ =	sdelay $0x1  }
.Ltmp3:
0x54: {  	(pc) =	sbr.rel @p0 .LBB2_4-.Ltmp3, $3  }
0x55: {  	_ =	sdelay $0x1  }
0x56: {  	v2 =	vadd.s32 v0, v2  }
0x57: {  	[tilespmem:s0+$0x0] =	vst v2;
	s0 =	sshra.s32 s31, $0x2;
	s31 =	sadd.s32 $0x40, s31  }
0x58: {  	v2 =	vld [tilespmem:s0+$0x0];
	_ =	sdelay $0x4  }
0x59: {  	v2 =	vadd.s32 v0, v2  }
0x5a: {  	[tilespmem:s0+$0x0] =	vst v2  }
0x5b: {  	s4 =	simm.s32 $0x0;
	[bflag:$0x0] =	sbarrier.arrive $0xFFFF  }
0x5c: {  	[tilespmem:s18], [sflag:$0x1] =	stream.indirect.gather [hbm4b:s2+s21], $0x20, s4, s21, $0xb8;
	[tilespmem:$0x10E00] =	vst v63  }
0x5d: {  	_ =	swait.ge [sflag:s22], $0x1000  }
0x5e: {  	[sflag:s22] =	ssyncset.done $0x0  }
0x5f: {  	[sflag:s22] =	ssyncadd.s32 $0xFFFFF000  }
0x60: {  	[spmem:s3] =	stream.indirect.scatter.add.bf16 [tilespmem:s18], [sflag:$0x3], $0x20, s20, s21, $0xb8;
	[tilespmem:$0x10E00] =	vst v63  }
0x61: {  	_ = 	snop  }
0x62: {  	[tilespmem:s23], [sflag:$0x2] =	stream.indirect.gather [hbm4b:s2+s21], $0x20, s21, s21, $0xb8;
	[tilespmem:$0x10E00] =	vst v63  }
0x63: {  	_ =	swait.ge [sflag:s24], $0x1000  }
0x64: {  	[sflag:s24] =	ssyncset.done $0x0  }
0x65: {  	[sflag:s24] =	ssyncadd.s32 $0xFFFFF000  }
0x66: {  	[spmem:s3] =	stream.indirect.scatter.add.bf16 [tilespmem:s23], [sflag:$0x4], $0x20, s25, s21, $0xb8;
	[tilespmem:$0x10E00] =	vst v63  }
0x67: {  	_ =	swait.ge [sflag:s26], $0x1000  }
0x68: {  	[sflag:s26] =	ssyncset.done $0x0  }
0x69: {  	s31 =	simm.s32 $0xFFFECC00;
	[sflag:s26] =	ssyncadd.s32 $0xFFFFF000  }
0x6a: {  	[tilespmem:s18], [sflag:$0x1] =	stream.indirect.gather [hbm4b:s2+s21], $0x20, s28, s21, $0xb8;
	[tilespmem:$0x10E00] =	vst v63  }
.LBB2_6:
0x6b: {  	_ =	swait.ge [sflag:s22], $0x1000  }
0x6c: {  	s0 =	sshra.s32 s31, $0x2;
	[sflag:s22] =	ssyncset.done $0x0  }
0x6d: {  	s4 =	sadd.s32 $0x9D00, s0;
	[sflag:s22] =	ssyncadd.s32 $0xFFFFF000  }
0x6e: {  	[spmem:s3] =	stream.indirect.scatter.add.bf16 [tilespmem:s18], [sflag:$0x3], $0x20, s4, s21, $0xb8;
	[tilespmem:$0x10E00] =	vst v63  }
0x6f: {  	_ =	swait.ge [sflag:s29], $0x1000  }
0x70: {  	[sflag:s29] =	ssyncset.done $0x0  }
0x71: {  	s4 =	sadd.s32 $0x4E80, s0;
	[sflag:s29] =	ssyncadd.s32 $0xFFFFF000  }
0x72: {  	[tilespmem:s23], [sflag:$0x2] =	stream.indirect.gather [hbm4b:s2+s21], $0x20, s4, s21, $0xb8;
	[tilespmem:$0x10E00] =	vst v63  }
0x73: {  	_ =	swait.ge [sflag:s24], $0x1000  }
0x74: {  	p0 =	seq.s32 s31, $0x0;
	[sflag:s24] =	ssyncset.done $0x0  }
.Ltmp4:
0x75: {  	s4 =	sadd.s32 $0x9D80, s0;
	[sflag:s24] =	ssyncadd.s32 $0xFFFFF000;
	(pc) =	sbr.rel @p0 .LBB2_8-.Ltmp4, $4  }
0x76: {  	[spmem:s3] =	stream.indirect.scatter.add.bf16 [tilespmem:s23], [sflag:$0x4], $0x20, s4, s21, $0xb8;
	[tilespmem:$0x10E00] =	vst v63  }
0x77: {  	_ =	swait.ge [sflag:s26], $0x1000  }
0x78: {  	[sflag:s26] =	ssyncset.done $0x0  }
0x79: {  	[sflag:s26] =	ssyncadd.s32 $0xFFFFF000  }
.Ltmp5:
0x7a: {  	(pc) =	sbr.rel .LBB2_6-.Ltmp5, $3  }
0x7b: {  	_ =	sdelay $0x1  }
0x7c: {  	s0 =	sadd.s32 $0x4F00, s0;
	s31 =	sadd.s32 $0x400, s31  }
0x7d: {  	[tilespmem:s18], [sflag:$0x1] =	stream.indirect.gather [hbm4b:s2+s21], $0x20, s0, s21, $0xb8;
	[tilespmem:$0x10E00] =	vst v63  }
.LBB2_9:
0x7e: {  	_ =	sfence.sel $0x180000  }
0x7f: {  	[bflag:$0x0] =	sbarrier.arrive $0xFFFF  }
0x80: {  	_ =	strace $0x9000004A  }
0x81: {  	[bflag:$0x2] =	sbarrier.arrive $0xFFFF  }
0x82: {  	p0 =	sne.s32 s1, $0x0;
	s0 =	rddreg [dreg:$0x3]  }
0x83: {  	s0 =	sadd.s32 @!p0 $0x100000, s0  }
0x84: {  	[sflag:s0] =	ssyncadd.tile.s32 @!p0 $0x1;
	_ =	shalt  }
.Lfunc_end2:
_tile_overlayer_lowered:
.L_overlay_start_2:
0x85: {  	(tag) =	ssettag $0x2  }
0x86: {  	s0 =	rddreg [dreg:$0x0];
	s2 =	stileid.u32  }
0x87: {  	s1 =	rddreg [dreg:$0x1];
	p0 =	sne.s32 s2, $0x0  }
0x88: {  	s3 =	rddreg [dreg:$0x2];
	[bflag:$0x3] =	sbarrier.arrive $0xFFFF;
	s2 =	simm.s32 @!p0 $0x1C05  }
0x89: {  	[timem:s3], [sflag:s2] =	dma.local @!p0 [hbm:s0], s1  }
0x8a: {  	s0 =	simm.s32 @!p0 $0x5  }
0x8b: {  	_ =	swait.ge @!p0 [sflag:s0], s1  }
0x8c: {  	s1 =	ssub.s32 @!p0 $0x0, s1;
	[sflag:s0] =	ssyncset.done @!p0 $0x0  }
0x8d: {  	[sflag:s0] =	ssyncadd.s32 @!p0 s1  }
0x8e: {  	[bflag:$0x3] =	sbarrier.arrive $0xFFFF  }
0x8f: {  	_ =	shalt  }

</sc_bundles>
